<compile_context>
chip_gen: v7x
topology: tpu7x:2x2x1
jax: 0.10.2.dev20260603
libtpu: 0.0.44.dev20260713+nightly
codegen_flags: <defaults>
</compile_context>

<pallas_src>
import functools

import jax
import jax.numpy as jnp
from jax import lax
from jax.experimental import pallas as pl
from jax.experimental.pallas import tpu as pltpu
from jax.experimental.pallas import tpu_sc as plsc

V = 1000
VP = 1024
NTOK = 51200
_INFO = plsc.get_sparse_core_info()
NC, NS, L = _INFO.num_cores, _INFO.num_subcores, _INFO.num_lanes
NW = NC * NS
PER_W = NTOK // NW
CHUNK = 32
NCHUNK = PER_W // CHUNK
BT = 512


def _lse_body(table_ref, out_ref):
    t = table_ref[...]
    m = jnp.max(t, axis=1, keepdims=True)
    s = jnp.sum(jnp.exp(t - m), axis=1, keepdims=True)
    out_ref[...] = m + jnp.log(s)


def _lse_call(table):
    return pl.pallas_call(
        _lse_body,
        out_shape=jax.ShapeDtypeStruct((V, 1), jnp.float32),
    )(table)


def _detile_body(in_ref, out_ref):
    v = in_ref[...]
    out_ref[...] = v.reshape(BT, VP)[:, :V]


def _detile_call(out3):
    return pl.pallas_call(
        _detile_body,
        grid=(NTOK // BT,),
        in_specs=[pl.BlockSpec((BT, 8, 128), lambda i: (i, 0, 0))],
        out_specs=pl.BlockSpec((BT, V), lambda i: (i, 0)),
        out_shape=jax.ShapeDtypeStruct((NTOK, V), jnp.float32),
    )(out3)


def _sc_body(table_hbm, flat_hbm, x_hbm, t_hbm, lse_hbm, out_hbm, part_hbm,
             idx0, idx1, tgt0, tgt1, rows0, rows1, fid0, fid1, pick0, pick1,
             lse_v, acc_v, g0, g1, p0, p1):
    wid = lax.axis_index("s") * NC + lax.axis_index("c")
    pltpu.sync_copy(lse_hbm, lse_v)
    acc_v[...] = jnp.zeros((L,), jnp.float32)
    base0 = wid * PER_W

    idx = (idx0, idx1)
    tgt = (tgt0, tgt1)
    rows = (rows0, rows1)
    fid = (fid0, fid1)
    pick = (pick0, pick1)
    gsem = (g0, g1)
    psem = (p0, p1)

    def start(b, basec):
        pltpu.sync_copy(x_hbm.at[pl.ds(basec, CHUNK)], idx[b])
        pltpu.sync_copy(t_hbm.at[pl.ds(basec, CHUNK)], tgt[b])
        pltpu.async_copy(table_hbm.at[idx[b]], rows[b], gsem[b])
        for j in range(CHUNK // L):
            s = pl.ds(j * L, L)
            fid[b][s] = idx[b][s] * V + tgt[b][s]
        pltpu.async_copy(flat_hbm.at[fid[b]], pick[b], psem[b])

    for b in range(2):
        start(b, base0 + b * CHUNK)

    def pair(g, carry):
        for b in range(2):
            c = g * 2 + b
            basec = base0 + c * CHUNK
            pltpu.make_async_copy(table_hbm.at[idx[b]], rows[b], gsem[b]).wait()
            pltpu.sync_copy(rows[b], out_hbm.at[pl.ds(basec, CHUNK)])
            pltpu.make_async_copy(flat_hbm.at[fid[b]], pick[b], psem[b]).wait()
            for j in range(CHUNK // L):
                s = pl.ds(j * L, L)
                l16 = plsc.load_gather(lse_v, [idx[b][s]])
                acc_v[...] = acc_v[...] + (l16 - pick[b][s])

            @pl.when(c + 2 < NCHUNK)
            def _():
                start(b, basec + 2 * CHUNK)

        return carry

    lax.fori_loop(0, NCHUNK // 2, pair, 0)
    pltpu.sync_copy(acc_v, part_hbm.at[pl.ds(wid * L, L)])


_sc_call = functools.partial(
    pl.kernel,
    mesh=plsc.VectorSubcoreMesh(core_axis_name="c", subcore_axis_name="s"),
    compiler_params=pltpu.CompilerParams(
        needs_layout_passes=False, use_tc_tiling_on_sc=False
    ),
    out_type=(
        jax.ShapeDtypeStruct((NTOK, 8, 128), jnp.float32),
        jax.ShapeDtypeStruct((NW * L,), jnp.float32),
    ),
    scratch_types=[
        pltpu.VMEM((CHUNK,), jnp.int32),
        pltpu.VMEM((CHUNK,), jnp.int32),
        pltpu.VMEM((CHUNK,), jnp.int32),
        pltpu.VMEM((CHUNK,), jnp.int32),
        pltpu.VMEM((CHUNK, 8, 128), jnp.float32),
        pltpu.VMEM((CHUNK, 8, 128), jnp.float32),
        pltpu.VMEM((CHUNK,), jnp.int32),
        pltpu.VMEM((CHUNK,), jnp.int32),
        pltpu.VMEM((CHUNK,), jnp.float32),
        pltpu.VMEM((CHUNK,), jnp.float32),
        pltpu.VMEM((V,), jnp.float32),
        pltpu.VMEM((L,), jnp.float32),
        pltpu.SemaphoreType.DMA,
        pltpu.SemaphoreType.DMA,
        pltpu.SemaphoreType.DMA,
        pltpu.SemaphoreType.DMA,
    ],
)(_sc_body)


def kernel(x, targets, table):
    xf = x.reshape(-1).astype(jnp.int32)
    tf = targets.reshape(-1).astype(jnp.int32)
    table_p = jnp.pad(table, ((0, 0), (0, VP - V)))
    table3 = table_p.reshape(V, 8, 128)
    flat = table.reshape(-1)
    lse = _lse_call(table).reshape(V)
    out3, parts = _sc_call(table3, flat, xf, tf, lse)
    logits2 = jnp.concatenate(
        [out3[:, :7, :].reshape(NTOK, 7 * 128), out3[:, 7, :104]], axis=1)
    loss = jnp.sum(parts) / jnp.float32(NTOK)
    return (logits2, loss)

# --- scband reference (transcript-rebuilt; emitter-appended) ---
"""Pipeline reference for scband-bigram-language-model-26517128085626 (READ-ONLY COPY).

The authoritative reference and input builder live on the scoring server;
editing this copy changes nothing except your own understanding.
"""

import jax, jax.numpy as jnp
import numpy as np

VOCAB = 1000
B, T = 1024, 50

def setup_inputs(seed: int = 0) -> dict:
    key = jax.random.key(seed)
    k1, k2, k3 = jax.random.split(key, 3)
    x = jax.random.randint(k1, (B, T), 0, VOCAB, dtype=jnp.int64 if jax.config.jax_enable_x64 else jnp.int32)
    targets = jax.random.randint(k2, (B, T), 0, VOCAB, dtype=jnp.int64 if jax.config.jax_enable_x64 else jnp.int32)
    table = jax.random.normal(k3, (VOCAB, VOCAB), dtype=jnp.float32) * 0.02
    return {"x": x, "targets": targets, "table": table}

def reference(x, targets, table):
    # logits = nn.Embedding lookup: table[x] -> (B, T, C)
    logits = jnp.take(table, x, axis=0)
    Bdim, Tdim, C = logits.shape
    logits2 = logits.reshape(Bdim * Tdim, C)
    t = targets.reshape(-1)
    # F.cross_entropy = mean over tokens of -log_softmax(logits)[target]
    logp = jax.nn.log_softmax(logits2, axis=-1)
    picked = jnp.take_along_axis(logp, t[:, None], axis=1)[:, 0]
    loss = -jnp.mean(picked)
    return (logits2, loss)

if __name__ == "__main__":
    import jax
    _d = setup_inputs()
    print(jax.jit(kernel)(*tuple(_d.values())))

</pallas_src>

<mosaic_0001>
#map = affine_map<(d0, d1) -> (0, 0, 0)>
#map1 = affine_map<(d0, d1) -> (0)>
module attributes {stable_mosaic.version = 14 : i64} {
  func.func @_sc_body(%arg0: i32, %arg1: i32, %arg2: memref<1000x8x128xf32, #tpu.memory_space<hbm>>, %arg3: memref<1000000xf32, #tpu.memory_space<hbm>>, %arg4: memref<51200xi32, #tpu.memory_space<hbm>>, %arg5: memref<51200xi32, #tpu.memory_space<hbm>>, %arg6: memref<1000xf32, #tpu.memory_space<hbm>>, %arg7: memref<51200x8x128xf32, #tpu.memory_space<hbm>>, %arg8: memref<512xf32, #tpu.memory_space<hbm>>, %arg9: memref<32xi32, #tpu.memory_space<vmem>>, %arg10: memref<32xi32, #tpu.memory_space<vmem>>, %arg11: memref<32xi32, #tpu.memory_space<vmem>>, %arg12: memref<32xi32, #tpu.memory_space<vmem>>, %arg13: memref<32x8x128xf32, #tpu.memory_space<vmem>>, %arg14: memref<32x8x128xf32, #tpu.memory_space<vmem>>, %arg15: memref<32xi32, #tpu.memory_space<vmem>>, %arg16: memref<32xi32, #tpu.memory_space<vmem>>, %arg17: memref<32xf32, #tpu.memory_space<vmem>>, %arg18: memref<32xf32, #tpu.memory_space<vmem>>, %arg19: memref<1000xf32, #tpu.memory_space<vmem>>, %arg20: memref<16xf32, #tpu.memory_space<vmem>>, %arg21: memref<!tpu.dma_semaphore, #tpu.memory_space<semaphore_mem>>, %arg22: memref<!tpu.dma_semaphore, #tpu.memory_space<semaphore_mem>>, %arg23: memref<!tpu.dma_semaphore, #tpu.memory_space<semaphore_mem>>, %arg24: memref<!tpu.dma_semaphore, #tpu.memory_space<semaphore_mem>>) attributes {dimension_semantics = [#tpu.dimension_semantics<core_parallel>, #tpu.dimension_semantics<subcore_parallel>], iteration_bounds = array<i64: 2, 16>, scalar_prefetch = 0 : i64, scratch_operands = 16 : i64, tpu.core_type = #tpu.core_type<sc_vector_subcore>, window_params = [{transform_indices = #map}, {transform_indices = #map1}, {transform_indices = #map1}, {transform_indices = #map1}, {transform_indices = #map1}, {transform_indices = #map}, {transform_indices = #map1}]} {
    %mul3A = arith.constant 2 : i32
    %mul3A_0 = arith.muli %arg1, %mul3A : i32
    %add3A = arith.addi %mul3A_0, %arg0 : i32
    "tpu.region"() ({
      %run_scoped3A = tpu.sem_alloc : memref<!tpu.dma_semaphore, #tpu.memory_space<semaphore_mem>>
      tpu.enqueue_dma source(%arg6 : memref<1000xf32, #tpu.memory_space<hbm>>) target(%arg19 : memref<1000xf32, #tpu.memory_space<vmem>>) target_semaphore(%run_scoped3A : memref<!tpu.dma_semaphore, #tpu.memory_space<semaphore_mem>>)
      tpu.wait_dma2 semaphore(%run_scoped3A : memref<!tpu.dma_semaphore, #tpu.memory_space<semaphore_mem>>) src(%arg6 : memref<1000xf32, #tpu.memory_space<hbm>>) dst(%arg19 : memref<1000xf32, #tpu.memory_space<vmem>>)
      tpu.yield
    }) : () -> ()
    %broadcast_in_dim3A = arith.constant 0.000000e+00 : f32
    %broadcast_in_dim3A_1 = vector.broadcast %broadcast_in_dim3A : f32 to vector<16xf32>
    %swap3A = arith.constant 0 : index
    %swap3A_2 = tpu.vector_load %arg20[%swap3A] {strides = array<i32>} : memref<16xf32, #tpu.memory_space<vmem>>, vector<16xf32>,
    tpu.vector_store %arg20[%swap3A], %broadcast_in_dim3A_1 {strides = array<i32>} : memref<16xf32, #tpu.memory_space<vmem>>, vector<16xf32>,
    %mul3A_3 = arith.constant 1600 : i32
    %mul3A_4 = arith.muli %add3A, %mul3A_3 : i32
    %add3A_5 = arith.constant 0 : i32
    %add3A_6 = arith.addi %mul3A_4, %add3A_5 : i32
    "tpu.region"() ({
      %run_scoped3A = tpu.sem_alloc : memref<!tpu.dma_semaphore, #tpu.memory_space<semaphore_mem>>
      %dma_start3A_66 = tpu.memref_slice %arg4[%add3A_6] : memref<51200xi32, #tpu.memory_space<hbm>> -> memref<32xi32, #tpu.memory_space<hbm>>
      %dma_start3A_67 = tpu.memref_slice %arg4[%add3A_6] : memref<51200xi32, #tpu.memory_space<hbm>> -> memref<32xi32, #tpu.memory_space<hbm>>
      tpu.enqueue_dma source(%dma_start3A_67 : memref<32xi32, #tpu.memory_space<hbm>>) target(%arg9 : memref<32xi32, #tpu.memory_space<vmem>>) target_semaphore(%run_scoped3A : memref<!tpu.dma_semaphore, #tpu.memory_space<semaphore_mem>>)
      %dma_wait3A = tpu.memref_slice %arg4[%add3A_6] : memref<51200xi32, #tpu.memory_space<hbm>> -> memref<32xi32, #tpu.memory_space<hbm>>
      %dma_wait3A_68 = tpu.memref_slice %arg4[%add3A_6] : memref<51200xi32, #tpu.memory_space<hbm>> -> memref<32xi32, #tpu.memory_space<hbm>>
      tpu.wait_dma2 semaphore(%run_scoped3A : memref<!tpu.dma_semaphore, #tpu.memory_space<semaphore_mem>>) src(%dma_wait3A_68 : memref<32xi32, #tpu.memory_space<hbm>>) dst(%arg9 : memref<32xi32, #tpu.memory_space<vmem>>)
      tpu.yield
    }) : () -> ()
    "tpu.region"() ({
      %run_scoped3A = tpu.sem_alloc : memref<!tpu.dma_semaphore, #tpu.memory_space<semaphore_mem>>
      %dma_start3A_66 = tpu.memref_slice %arg5[%add3A_6] : memref<51200xi32, #tpu.memory_space<hbm>> -> memref<32xi32, #tpu.memory_space<hbm>>
      %dma_start3A_67 = tpu.memref_slice %arg5[%add3A_6] : memref<51200xi32, #tpu.memory_space<hbm>> -> memref<32xi32, #tpu.memory_space<hbm>>
      tpu.enqueue_dma source(%dma_start3A_67 : memref<32xi32, #tpu.memory_space<hbm>>) target(%arg11 : memref<32xi32, #tpu.memory_space<vmem>>) target_semaphore(%run_scoped3A : memref<!tpu.dma_semaphore, #tpu.memory_space<semaphore_mem>>)
      %dma_wait3A = tpu.memref_slice %arg5[%add3A_6] : memref<51200xi32, #tpu.memory_space<hbm>> -> memref<32xi32, #tpu.memory_space<hbm>>
      %dma_wait3A_68 = tpu.memref_slice %arg5[%add3A_6] : memref<51200xi32, #tpu.memory_space<hbm>> -> memref<32xi32, #tpu.memory_space<hbm>>
      tpu.wait_dma2 semaphore(%run_scoped3A : memref<!tpu.dma_semaphore, #tpu.memory_space<semaphore_mem>>) src(%dma_wait3A_68 : memref<32xi32, #tpu.memory_space<hbm>>) dst(%arg11 : memref<32xi32, #tpu.memory_space<vmem>>)
      tpu.yield
    }) : () -> ()
    %dma_start3A = arith.constant 0 : i32
    %dma_start3A_7 = arith.constant 0 : i32
    %dma_start3A_8 = arith.constant 0 : i32
    %dma_start3A_9 = tpu.memref_slice %arg2[%dma_start3A, %dma_start3A_7, %dma_start3A_8] : memref<1000x8x128xf32, #tpu.memory_space<hbm>> -> memref<1000x8x128xf32, #tpu.memory_space<hbm>>
    tpu.enqueue_indirect_dma source(%dma_start3A_9 : memref<1000x8x128xf32, #tpu.memory_space<hbm>>) target(%arg13 : memref<32x8x128xf32, #tpu.memory_space<vmem>>) offsets(%arg9 : memref<32xi32, #tpu.memory_space<vmem>>) semaphore(%arg21 : memref<!tpu.dma_semaphore, #tpu.memory_space<semaphore_mem>>)
    %get3A = arith.constant 0 : index
    %get3A_10 = tpu.vector_load %arg9[%get3A] {strides = array<i32>} : memref<32xi32, #tpu.memory_space<vmem>>, vector<16xi32>,
    %mul3A_11 = arith.constant 1000 : i32
    %mul3A_12 = vector.broadcast %mul3A_11 : i32 to vector<16xi32>
    %mul3A_13 = arith.muli %get3A_10, %mul3A_12 : vector<16xi32>
    %get3A_14 = arith.constant 0 : index
    %get3A_15 = tpu.vector_load %arg11[%get3A_14] {strides = array<i32>} : memref<32xi32, #tpu.memory_space<vmem>>, vector<16xi32>,
    %add3A_16 = arith.addi %mul3A_13, %get3A_15 : vector<16xi32>
    %swap3A_17 = arith.constant 0 : index
    %swap3A_18 = tpu.vector_load %arg15[%swap3A_17] {strides = array<i32>} : memref<32xi32, #tpu.memory_space<vmem>>, vector<16xi32>,
    tpu.vector_store %arg15[%swap3A_17], %add3A_16 {strides = array<i32>} : memref<32xi32, #tpu.memory_space<vmem>>, vector<16xi32>,
    %get3A_19 = arith.constant 16 : index
    %get3A_20 = tpu.vector_load %arg9[%get3A_19] {strides = array<i32>} : memref<32xi32, #tpu.memory_space<vmem>>, vector<16xi32>,
    %mul3A_21 = arith.constant 1000 : i32
    %mul3A_22 = vector.broadcast %mul3A_21 : i32 to vector<16xi32>
    %mul3A_23 = arith.muli %get3A_20, %mul3A_22 : vector<16xi32>
    %get3A_24 = arith.constant 16 : index
    %get3A_25 = tpu.vector_load %arg11[%get3A_24] {strides = array<i32>} : memref<32xi32, #tpu.memory_space<vmem>>, vector<16xi32>,
    %add3A_26 = arith.addi %mul3A_23, %get3A_25 : vector<16xi32>
    %swap3A_27 = arith.constant 16 : index
    %swap3A_28 = tpu.vector_load %arg15[%swap3A_27] {strides = array<i32>} : memref<32xi32, #tpu.memory_space<vmem>>, vector<16xi32>,
    tpu.vector_store %arg15[%swap3A_27], %add3A_26 {strides = array<i32>} : memref<32xi32, #tpu.memory_space<vmem>>, vector<16xi32>,
    %dma_start3A_29 = arith.constant 0 : i32
    %dma_start3A_30 = tpu.memref_slice %arg3[%dma_start3A_29] : memref<1000000xf32, #tpu.memory_space<hbm>> -> memref<1000000xf32, #tpu.memory_space<hbm>>
    tpu.enqueue_indirect_dma source(%dma_start3A_30 : memref<1000000xf32, #tpu.memory_space<hbm>>) target(%arg17 : memref<32xf32, #tpu.memory_space<vmem>>) offsets(%arg15 : memref<32xi32, #tpu.memory_space<vmem>>) semaphore(%arg23 : memref<!tpu.dma_semaphore, #tpu.memory_space<semaphore_mem>>)
    %add3A_31 = arith.constant 32 : i32
    %add3A_32 = arith.addi %mul3A_4, %add3A_31 : i32
    "tpu.region"() ({
      %run_scoped3A = tpu.sem_alloc : memref<!tpu.dma_semaphore, #tpu.memory_space<semaphore_mem>>
      %dma_start3A_66 = tpu.memref_slice %arg4[%add3A_32] : memref<51200xi32, #tpu.memory_space<hbm>> -> memref<32xi32, #tpu.memory_space<hbm>>
      %dma_start3A_67 = tpu.memref_slice %arg4[%add3A_32] : memref<51200xi32, #tpu.memory_space<hbm>> -> memref<32xi32, #tpu.memory_space<hbm>>
      tpu.enqueue_dma source(%dma_start3A_67 : memref<32xi32, #tpu.memory_space<hbm>>) target(%arg10 : memref<32xi32, #tpu.memory_space<vmem>>) target_semaphore(%run_scoped3A : memref<!tpu.dma_semaphore, #tpu.memory_space<semaphore_mem>>)
      %dma_wait3A = tpu.memref_slice %arg4[%add3A_32] : memref<51200xi32, #tpu.memory_space<hbm>> -> memref<32xi32, #tpu.memory_space<hbm>>
      %dma_wait3A_68 = tpu.memref_slice %arg4[%add3A_32] : memref<51200xi32, #tpu.memory_space<hbm>> -> memref<32xi32, #tpu.memory_space<hbm>>
      tpu.wait_dma2 semaphore(%run_scoped3A : memref<!tpu.dma_semaphore, #tpu.memory_space<semaphore_mem>>) src(%dma_wait3A_68 : memref<32xi32, #tpu.memory_space<hbm>>) dst(%arg10 : memref<32xi32, #tpu.memory_space<vmem>>)
      tpu.yield
    }) : () -> ()
    "tpu.region"() ({
      %run_scoped3A = tpu.sem_alloc : memref<!tpu.dma_semaphore, #tpu.memory_space<semaphore_mem>>
      %dma_start3A_66 = tpu.memref_slice %arg5[%add3A_32] : memref<51200xi32, #tpu.memory_space<hbm>> -> memref<32xi32, #tpu.memory_space<hbm>>
      %dma_start3A_67 = tpu.memref_slice %arg5[%add3A_32] : memref<51200xi32, #tpu.memory_space<hbm>> -> memref<32xi32, #tpu.memory_space<hbm>>
      tpu.enqueue_dma source(%dma_start3A_67 : memref<32xi32, #tpu.memory_space<hbm>>) target(%arg12 : memref<32xi32, #tpu.memory_space<vmem>>) target_semaphore(%run_scoped3A : memref<!tpu.dma_semaphore, #tpu.memory_space<semaphore_mem>>)
      %dma_wait3A = tpu.memref_slice %arg5[%add3A_32] : memref<51200xi32, #tpu.memory_space<hbm>> -> memref<32xi32, #tpu.memory_space<hbm>>
      %dma_wait3A_68 = tpu.memref_slice %arg5[%add3A_32] : memref<51200xi32, #tpu.memory_space<hbm>> -> memref<32xi32, #tpu.memory_space<hbm>>
      tpu.wait_dma2 semaphore(%run_scoped3A : memref<!tpu.dma_semaphore, #tpu.memory_space<semaphore_mem>>) src(%dma_wait3A_68 : memref<32xi32, #tpu.memory_space<hbm>>) dst(%arg12 : memref<32xi32, #tpu.memory_space<vmem>>)
      tpu.yield
    }) : () -> ()
    %dma_start3A_33 = arith.constant 0 : i32
    %dma_start3A_34 = arith.constant 0 : i32
    %dma_start3A_35 = arith.constant 0 : i32
    %dma_start3A_36 = tpu.memref_slice %arg2[%dma_start3A_33, %dma_start3A_34, %dma_start3A_35] : memref<1000x8x128xf32, #tpu.memory_space<hbm>> -> memref<1000x8x128xf32, #tpu.memory_space<hbm>>
    tpu.enqueue_indirect_dma source(%dma_start3A_36 : memref<1000x8x128xf32, #tpu.memory_space<hbm>>) target(%arg14 : memref<32x8x128xf32, #tpu.memory_space<vmem>>) offsets(%arg10 : memref<32xi32, #tpu.memory_space<vmem>>) semaphore(%arg22 : memref<!tpu.dma_semaphore, #tpu.memory_space<semaphore_mem>>)
    %get3A_37 = arith.constant 0 : index
    %get3A_38 = tpu.vector_load %arg10[%get3A_37] {strides = array<i32>} : memref<32xi32, #tpu.memory_space<vmem>>, vector<16xi32>,
    %mul3A_39 = arith.constant 1000 : i32
    %mul3A_40 = vector.broadcast %mul3A_39 : i32 to vector<16xi32>
    %mul3A_41 = arith.muli %get3A_38, %mul3A_40 : vector<16xi32>
    %get3A_42 = arith.constant 0 : index
    %get3A_43 = tpu.vector_load %arg12[%get3A_42] {strides = array<i32>} : memref<32xi32, #tpu.memory_space<vmem>>, vector<16xi32>,
    %add3A_44 = arith.addi %mul3A_41, %get3A_43 : vector<16xi32>
    %swap3A_45 = arith.constant 0 : index
    %swap3A_46 = tpu.vector_load %arg16[%swap3A_45] {strides = array<i32>} : memref<32xi32, #tpu.memory_space<vmem>>, vector<16xi32>,
    tpu.vector_store %arg16[%swap3A_45], %add3A_44 {strides = array<i32>} : memref<32xi32, #tpu.memory_space<vmem>>, vector<16xi32>,
    %get3A_47 = arith.constant 16 : index
    %get3A_48 = tpu.vector_load %arg10[%get3A_47] {strides = array<i32>} : memref<32xi32, #tpu.memory_space<vmem>>, vector<16xi32>,
    %mul3A_49 = arith.constant 1000 : i32
    %mul3A_50 = vector.broadcast %mul3A_49 : i32 to vector<16xi32>
    %mul3A_51 = arith.muli %get3A_48, %mul3A_50 : vector<16xi32>
    %get3A_52 = arith.constant 16 : index
    %get3A_53 = tpu.vector_load %arg12[%get3A_52] {strides = array<i32>} : memref<32xi32, #tpu.memory_space<vmem>>, vector<16xi32>,
    %add3A_54 = arith.addi %mul3A_51, %get3A_53 : vector<16xi32>
    %swap3A_55 = arith.constant 16 : index
    %swap3A_56 = tpu.vector_load %arg16[%swap3A_55] {strides = array<i32>} : memref<32xi32, #tpu.memory_space<vmem>>, vector<16xi32>,
    tpu.vector_store %arg16[%swap3A_55], %add3A_54 {strides = array<i32>} : memref<32xi32, #tpu.memory_space<vmem>>, vector<16xi32>,
    %dma_start3A_57 = arith.constant 0 : i32
    %dma_start3A_58 = tpu.memref_slice %arg3[%dma_start3A_57] : memref<1000000xf32, #tpu.memory_space<hbm>> -> memref<1000000xf32, #tpu.memory_space<hbm>>
    tpu.enqueue_indirect_dma source(%dma_start3A_58 : memref<1000000xf32, #tpu.memory_space<hbm>>) target(%arg18 : memref<32xf32, #tpu.memory_space<vmem>>) offsets(%arg16 : memref<32xi32, #tpu.memory_space<vmem>>) semaphore(%arg24 : memref<!tpu.dma_semaphore, #tpu.memory_space<semaphore_mem>>)
    %scan3A = arith.constant 0 : i32
    %scan3A_59 = arith.constant 0 : i32
    %scan3A_60 = arith.constant 25 : i32
    %scan3A_61 = arith.addi %scan3A_59, %scan3A_60 : i32
    %scan3A_62 = arith.constant 1 : i32
    scf.for %scan3A_66 = %scan3A_59 to %scan3A_61 step %scan3A_62  : i32 {
      %mul3A_67 = arith.constant 2 : i32
      %mul3A_68 = arith.muli %scan3A_66, %mul3A_67 : i32
      %add3A_69 = arith.constant 0 : i32
      %add3A_70 = arith.addi %mul3A_68, %add3A_69 : i32
      %mul3A_71 = arith.constant 32 : i32
      %mul3A_72 = arith.muli %add3A_70, %mul3A_71 : i32
      %add3A_73 = arith.addi %mul3A_4, %mul3A_72 : i32
      %dma_wait3A = arith.constant 0 : i32
      %dma_wait3A_74 = arith.constant 0 : i32
      %dma_wait3A_75 = arith.constant 0 : i32
      %dma_wait3A_76 = tpu.memref_slice %arg2[%dma_wait3A, %dma_wait3A_74, %dma_wait3A_75] : memref<1000x8x128xf32, #tpu.memory_space<hbm>> -> memref<1000x8x128xf32, #tpu.memory_space<hbm>>
      tpu.wait_indirect_dma semaphore(%arg21 : memref<!tpu.dma_semaphore, #tpu.memory_space<semaphore_mem>>) src(%dma_wait3A_76 : memref<1000x8x128xf32, #tpu.memory_space<hbm>>) dst(%arg13 : memref<32x8x128xf32, #tpu.memory_space<vmem>>)
      "tpu.region"() ({
        %run_scoped3A = tpu.sem_alloc : memref<!tpu.dma_semaphore, #tpu.memory_space<semaphore_mem>>
        %dma_start3A_145 = arith.constant 0 : i32
        %dma_start3A_146 = arith.constant 0 : i32
        %dma_start3A_147 = tpu.memref_slice %arg7[%add3A_73, %dma_start3A_145, %dma_start3A_146] : memref<51200x8x128xf32, #tpu.memory_space<hbm>> -> memref<32x8x128xf32, #tpu.memory_space<hbm>>
        %dma_start3A_148 = arith.constant 0 : i32
        %dma_start3A_149 = arith.constant 0 : i32
        %dma_start3A_150 = tpu.memref_slice %arg7[%add3A_73, %dma_start3A_148, %dma_start3A_149] : memref<51200x8x128xf32, #tpu.memory_space<hbm>> -> memref<32x8x128xf32, #tpu.memory_space<hbm>>
        tpu.enqueue_dma source(%arg13 : memref<32x8x128xf32, #tpu.memory_space<vmem>>) target(%dma_start3A_150 : memref<32x8x128xf32, #tpu.memory_space<hbm>>) target_semaphore(%run_scoped3A : memref<!tpu.dma_semaphore, #tpu.memory_space<semaphore_mem>>)
        %dma_wait3A_151 = arith.constant 0 : i32
        %dma_wait3A_152 = arith.constant 0 : i32
        %dma_wait3A_153 = tpu.memref_slice %arg7[%add3A_73, %dma_wait3A_151, %dma_wait3A_152] : memref<51200x8x128xf32, #tpu.memory_space<hbm>> -> memref<32x8x128xf32, #tpu.memory_space<hbm>>
        %dma_wait3A_154 = arith.constant 0 : i32
        %dma_wait3A_155 = arith.constant 0 : i32
        %dma_wait3A_156 = tpu.memref_slice %arg7[%add3A_73, %dma_wait3A_154, %dma_wait3A_155] : memref<51200x8x128xf32, #tpu.memory_space<hbm>> -> memref<32x8x128xf32, #tpu.memory_space<hbm>>
        tpu.wait_dma2 semaphore(%run_scoped3A : memref<!tpu.dma_semaphore, #tpu.memory_space<semaphore_mem>>) src(%arg13 : memref<32x8x128xf32, #tpu.memory_space<vmem>>) dst(%dma_wait3A_156 : memref<32x8x128xf32, #tpu.memory_space<hbm>>)
        tpu.yield
      }) : () -> ()
      %dma_wait3A_77 = arith.constant 0 : i32
      %dma_wait3A_78 = tpu.memref_slice %arg3[%dma_wait3A_77] : memref<1000000xf32, #tpu.memory_space<hbm>> -> memref<1000000xf32, #tpu.memory_space<hbm>>
      tpu.wait_indirect_dma semaphore(%arg23 : memref<!tpu.dma_semaphore, #tpu.memory_space<semaphore_mem>>) src(%dma_wait3A_78 : memref<1000000xf32, #tpu.memory_space<hbm>>) dst(%arg17 : memref<32xf32, #tpu.memory_space<vmem>>)
      %get3A_79 = arith.constant 0 : index
      %get3A_80 = tpu.vector_load %arg9[%get3A_79] {strides = array<i32>} : memref<32xi32, #tpu.memory_space<vmem>>, vector<16xi32>,
      %gather3A = tpu.vector_load_idx %arg19[%get3A_80] : memref<1000xf32, #tpu.memory_space<vmem>>[vector<16xi32>], vector<16xf32>,
      %get3A_81 = arith.constant 0 : index
      %get3A_82 = tpu.vector_load %arg20[%get3A_81] {strides = array<i32>} : memref<16xf32, #tpu.memory_space<vmem>>, vector<16xf32>,
      %get3A_83 = arith.constant 0 : index
      %get3A_84 = tpu.vector_load %arg17[%get3A_83] {strides = array<i32>} : memref<32xf32, #tpu.memory_space<vmem>>, vector<16xf32>,
      %sub3A = arith.subf %gather3A, %get3A_84 : vector<16xf32>
      %add3A_85 = arith.addf %get3A_82, %sub3A : vector<16xf32>
      %swap3A_86 = arith.constant 0 : index
      %swap3A_87 = tpu.vector_load %arg20[%swap3A_86] {strides = array<i32>} : memref<16xf32, #tpu.memory_space<vmem>>, vector<16xf32>,
      tpu.vector_store %arg20[%swap3A_86], %add3A_85 {strides = array<i32>} : memref<16xf32, #tpu.memory_space<vmem>>, vector<16xf32>,
      %get3A_88 = arith.constant 16 : index
      %get3A_89 = tpu.vector_load %arg9[%get3A_88] {strides = array<i32>} : memref<32xi32, #tpu.memory_space<vmem>>, vector<16xi32>,
      %gather3A_90 = tpu.vector_load_idx %arg19[%get3A_89] : memref<1000xf32, #tpu.memory_space<vmem>>[vector<16xi32>], vector<16xf32>,
      %get3A_91 = arith.constant 0 : index
      %get3A_92 = tpu.vector_load %arg20[%get3A_91] {strides = array<i32>} : memref<16xf32, #tpu.memory_space<vmem>>, vector<16xf32>,
      %get3A_93 = arith.constant 16 : index
      %get3A_94 = tpu.vector_load %arg17[%get3A_93] {strides = array<i32>} : memref<32xf32, #tpu.memory_space<vmem>>, vector<16xf32>,
      %sub3A_95 = arith.subf %gather3A_90, %get3A_94 : vector<16xf32>
      %add3A_96 = arith.addf %get3A_92, %sub3A_95 : vector<16xf32>
      %swap3A_97 = arith.constant 0 : index
      %swap3A_98 = tpu.vector_load %arg20[%swap3A_97] {strides = array<i32>} : memref<16xf32, #tpu.memory_space<vmem>>, vector<16xf32>,
      tpu.vector_store %arg20[%swap3A_97], %add3A_96 {strides = array<i32>} : memref<16xf32, #tpu.memory_space<vmem>>, vector<16xf32>,
      %add3A_99 = arith.constant 2 : i32
      %add3A_100 = arith.addi %add3A_70, %add3A_99 : i32
      %lt3A = arith.constant 50 : i32
      %lt3A_101 = arith.cmpi slt, %add3A_100, %lt3A : i32
      %convert_element_type3A = arith.extui %lt3A_101 : i1 to i32
      %cond3A = arith.constant 0 : i32
      %cond3A_102 = arith.cmpi ne, %convert_element_type3A, %cond3A : i32
      scf.if %cond3A_102 {
        %add3A_145 = arith.constant 64 : i32
        %add3A_146 = arith.addi %add3A_73, %add3A_145 : i32
        "tpu.region"() ({
          %run_scoped3A = tpu.sem_alloc : memref<!tpu.dma_semaphore, #tpu.memory_space<semaphore_mem>>
          %dma_start3A_173 = tpu.memref_slice %arg4[%add3A_146] : memref<51200xi32, #tpu.memory_space<hbm>> -> memref<32xi32, #tpu.memory_space<hbm>>
          %dma_start3A_174 = tpu.memref_slice %arg4[%add3A_146] : memref<51200xi32, #tpu.memory_space<hbm>> -> memref<32xi32, #tpu.memory_space<hbm>>
          tpu.enqueue_dma source(%dma_start3A_174 : memref<32xi32, #tpu.memory_space<hbm>>) target(%arg9 : memref<32xi32, #tpu.memory_space<vmem>>) target_semaphore(%run_scoped3A : memref<!tpu.dma_semaphore, #tpu.memory_space<semaphore_mem>>)
          %dma_wait3A_175 = tpu.memref_slice %arg4[%add3A_146] : memref<51200xi32, #tpu.memory_space<hbm>> -> memref<32xi32, #tpu.memory_space<hbm>>
          %dma_wait3A_176 = tpu.memref_slice %arg4[%add3A_146] : memref<51200xi32, #tpu.memory_space<hbm>> -> memref<32xi32, #tpu.memory_space<hbm>>
          tpu.wait_dma2 semaphore(%run_scoped3A : memref<!tpu.dma_semaphore, #tpu.memory_space<semaphore_mem>>) src(%dma_wait3A_176 : memref<32xi32, #tpu.memory_space<hbm>>) dst(%arg9 : memref<32xi32, #tpu.memory_space<vmem>>)
          tpu.yield
        }) : () -> ()
        "tpu.region"() ({
          %run_scoped3A = tpu.sem_alloc : memref<!tpu.dma_semaphore, #tpu.memory_space<semaphore_mem>>
          %dma_start3A_173 = tpu.memref_slice %arg5[%add3A_146] : memref<51200xi32, #tpu.memory_space<hbm>> -> memref<32xi32, #tpu.memory_space<hbm>>
          %dma_start3A_174 = tpu.memref_slice %arg5[%add3A_146] : memref<51200xi32, #tpu.memory_space<hbm>> -> memref<32xi32, #tpu.memory_space<hbm>>
          tpu.enqueue_dma source(%dma_start3A_174 : memref<32xi32, #tpu.memory_space<hbm>>) target(%arg11 : memref<32xi32, #tpu.memory_space<vmem>>) target_semaphore(%run_scoped3A : memref<!tpu.dma_semaphore, #tpu.memory_space<semaphore_mem>>)
          %dma_wait3A_175 = tpu.memref_slice %arg5[%add3A_146] : memref<51200xi32, #tpu.memory_space<hbm>> -> memref<32xi32, #tpu.memory_space<hbm>>
          %dma_wait3A_176 = tpu.memref_slice %arg5[%add3A_146] : memref<51200xi32, #tpu.memory_space<hbm>> -> memref<32xi32, #tpu.memory_space<hbm>>
          tpu.wait_dma2 semaphore(%run_scoped3A : memref<!tpu.dma_semaphore, #tpu.memory_space<semaphore_mem>>) src(%dma_wait3A_176 : memref<32xi32, #tpu.memory_space<hbm>>) dst(%arg11 : memref<32xi32, #tpu.memory_space<vmem>>)
          tpu.yield
        }) : () -> ()
        %dma_start3A_147 = arith.constant 0 : i32
        %dma_start3A_148 = arith.constant 0 : i32
        %dma_start3A_149 = arith.constant 0 : i32
        %dma_start3A_150 = tpu.memref_slice %arg2[%dma_start3A_147, %dma_start3A_148, %dma_start3A_149] : memref<1000x8x128xf32, #tpu.memory_space<hbm>> -> memref<1000x8x128xf32, #tpu.memory_space<hbm>>
        tpu.enqueue_indirect_dma source(%dma_start3A_150 : memref<1000x8x128xf32, #tpu.memory_space<hbm>>) target(%arg13 : memref<32x8x128xf32, #tpu.memory_space<vmem>>) offsets(%arg9 : memref<32xi32, #tpu.memory_space<vmem>>) semaphore(%arg21 : memref<!tpu.dma_semaphore, #tpu.memory_space<semaphore_mem>>)
        %get3A_151 = arith.constant 0 : index
        %get3A_152 = tpu.vector_load %arg9[%get3A_151] {strides = array<i32>} : memref<32xi32, #tpu.memory_space<vmem>>, vector<16xi32>,
        %mul3A_153 = arith.constant 1000 : i32
        %mul3A_154 = vector.broadcast %mul3A_153 : i32 to vector<16xi32>
        %mul3A_155 = arith.muli %get3A_152, %mul3A_154 : vector<16xi32>
        %get3A_156 = arith.constant 0 : index
        %get3A_157 = tpu.vector_load %arg11[%get3A_156] {strides = array<i32>} : memref<32xi32, #tpu.memory_space<vmem>>, vector<16xi32>,
        %add3A_158 = arith.addi %mul3A_155, %get3A_157 : vector<16xi32>
        %swap3A_159 = arith.constant 0 : index
        %swap3A_160 = tpu.vector_load %arg15[%swap3A_159] {strides = array<i32>} : memref<32xi32, #tpu.memory_space<vmem>>, vector<16xi32>,
        tpu.vector_store %arg15[%swap3A_159], %add3A_158 {strides = array<i32>} : memref<32xi32, #tpu.memory_space<vmem>>, vector<16xi32>,
        %get3A_161 = arith.constant 16 : index
        %get3A_162 = tpu.vector_load %arg9[%get3A_161] {strides = array<i32>} : memref<32xi32, #tpu.memory_space<vmem>>, vector<16xi32>,
        %mul3A_163 = arith.constant 1000 : i32
        %mul3A_164 = vector.broadcast %mul3A_163 : i32 to vector<16xi32>
        %mul3A_165 = arith.muli %get3A_162, %mul3A_164 : vector<16xi32>
        %get3A_166 = arith.constant 16 : index
        %get3A_167 = tpu.vector_load %arg11[%get3A_166] {strides = array<i32>} : memref<32xi32, #tpu.memory_space<vmem>>, vector<16xi32>,
        %add3A_168 = arith.addi %mul3A_165, %get3A_167 : vector<16xi32>
        %swap3A_169 = arith.constant 16 : index
        %swap3A_170 = tpu.vector_load %arg15[%swap3A_169] {strides = array<i32>} : memref<32xi32, #tpu.memory_space<vmem>>, vector<16xi32>,
        tpu.vector_store %arg15[%swap3A_169], %add3A_168 {strides = array<i32>} : memref<32xi32, #tpu.memory_space<vmem>>, vector<16xi32>,
        %dma_start3A_171 = arith.constant 0 : i32
        %dma_start3A_172 = tpu.memref_slice %arg3[%dma_start3A_171] : memref<1000000xf32, #tpu.memory_space<hbm>> -> memref<1000000xf32, #tpu.memory_space<hbm>>
        tpu.enqueue_indirect_dma source(%dma_start3A_172 : memref<1000000xf32, #tpu.memory_space<hbm>>) target(%arg17 : memref<32xf32, #tpu.memory_space<vmem>>) offsets(%arg15 : memref<32xi32, #tpu.memory_space<vmem>>) semaphore(%arg23 : memref<!tpu.dma_semaphore, #tpu.memory_space<semaphore_mem>>)
      } else {
      }
      %mul3A_103 = arith.constant 2 : i32
      %mul3A_104 = arith.muli %scan3A_66, %mul3A_103 : i32
      %add3A_105 = arith.constant 1 : i32
      %add3A_106 = arith.addi %mul3A_104, %add3A_105 : i32
      %mul3A_107 = arith.constant 32 : i32
      %mul3A_108 = arith.muli %add3A_106, %mul3A_107 : i32
      %add3A_109 = arith.addi %mul3A_4, %mul3A_108 : i32
      %dma_wait3A_110 = arith.constant 0 : i32
      %dma_wait3A_111 = arith.constant 0 : i32
      %dma_wait3A_112 = arith.constant 0 : i32
      %dma_wait3A_113 = tpu.memref_slice %arg2[%dma_wait3A_110, %dma_wait3A_111, %dma_wait3A_112] : memref<1000x8x128xf32, #tpu.memory_space<hbm>> -> memref<1000x8x128xf32, #tpu.memory_space<hbm>>
      tpu.wait_indirect_dma semaphore(%arg22 : memref<!tpu.dma_semaphore, #tpu.memory_space<semaphore_mem>>) src(%dma_wait3A_113 : memref<1000x8x128xf32, #tpu.memory_space<hbm>>) dst(%arg14 : memref<32x8x128xf32, #tpu.memory_space<vmem>>)
      "tpu.region"() ({
        %run_scoped3A = tpu.sem_alloc : memref<!tpu.dma_semaphore, #tpu.memory_space<semaphore_mem>>
        %dma_start3A_145 = arith.constant 0 : i32
        %dma_start3A_146 = arith.constant 0 : i32
        %dma_start3A_147 = tpu.memref_slice %arg7[%add3A_109, %dma_start3A_145, %dma_start3A_146] : memref<51200x8x128xf32, #tpu.memory_space<hbm>> -> memref<32x8x128xf32, #tpu.memory_space<hbm>>
        %dma_start3A_148 = arith.constant 0 : i32
        %dma_start3A_149 = arith.constant 0 : i32
        %dma_start3A_150 = tpu.memref_slice %arg7[%add3A_109, %dma_start3A_148, %dma_start3A_149] : memref<51200x8x128xf32, #tpu.memory_space<hbm>> -> memref<32x8x128xf32, #tpu.memory_space<hbm>>
        tpu.enqueue_dma source(%arg14 : memref<32x8x128xf32, #tpu.memory_space<vmem>>) target(%dma_start3A_150 : memref<32x8x128xf32, #tpu.memory_space<hbm>>) target_semaphore(%run_scoped3A : memref<!tpu.dma_semaphore, #tpu.memory_space<semaphore_mem>>)
        %dma_wait3A_151 = arith.constant 0 : i32
        %dma_wait3A_152 = arith.constant 0 : i32
        %dma_wait3A_153 = tpu.memref_slice %arg7[%add3A_109, %dma_wait3A_151, %dma_wait3A_152] : memref<51200x8x128xf32, #tpu.memory_space<hbm>> -> memref<32x8x128xf32, #tpu.memory_space<hbm>>
        %dma_wait3A_154 = arith.constant 0 : i32
        %dma_wait3A_155 = arith.constant 0 : i32
        %dma_wait3A_156 = tpu.memref_slice %arg7[%add3A_109, %dma_wait3A_154, %dma_wait3A_155] : memref<51200x8x128xf32, #tpu.memory_space<hbm>> -> memref<32x8x128xf32, #tpu.memory_space<hbm>>
        tpu.wait_dma2 semaphore(%run_scoped3A : memref<!tpu.dma_semaphore, #tpu.memory_space<semaphore_mem>>) src(%arg14 : memref<32x8x128xf32, #tpu.memory_space<vmem>>) dst(%dma_wait3A_156 : memref<32x8x128xf32, #tpu.memory_space<hbm>>)
        tpu.yield
      }) : () -> ()
      %dma_wait3A_114 = arith.constant 0 : i32
      %dma_wait3A_115 = tpu.memref_slice %arg3[%dma_wait3A_114] : memref<1000000xf32, #tpu.memory_space<hbm>> -> memref<1000000xf32, #tpu.memory_space<hbm>>
      tpu.wait_indirect_dma semaphore(%arg24 : memref<!tpu.dma_semaphore, #tpu.memory_space<semaphore_mem>>) src(%dma_wait3A_115 : memref<1000000xf32, #tpu.memory_space<hbm>>) dst(%arg18 : memref<32xf32, #tpu.memory_space<vmem>>)
      %get3A_116 = arith.constant 0 : index
      %get3A_117 = tpu.vector_load %arg10[%get3A_116] {strides = array<i32>} : memref<32xi32, #tpu.memory_space<vmem>>, vector<16xi32>,
      %gather3A_118 = tpu.vector_load_idx %arg19[%get3A_117] : memref<1000xf32, #tpu.memory_space<vmem>>[vector<16xi32>], vector<16xf32>,
      %get3A_119 = arith.constant 0 : index
      %get3A_120 = tpu.vector_load %arg20[%get3A_119] {strides = array<i32>} : memref<16xf32, #tpu.memory_space<vmem>>, vector<16xf32>,
      %get3A_121 = arith.constant 0 : index
      %get3A_122 = tpu.vector_load %arg18[%get3A_121] {strides = array<i32>} : memref<32xf32, #tpu.memory_space<vmem>>, vector<16xf32>,
      %sub3A_123 = arith.subf %gather3A_118, %get3A_122 : vector<16xf32>
      %add3A_124 = arith.addf %get3A_120, %sub3A_123 : vector<16xf32>
      %swap3A_125 = arith.constant 0 : index
      %swap3A_126 = tpu.vector_load %arg20[%swap3A_125] {strides = array<i32>} : memref<16xf32, #tpu.memory_space<vmem>>, vector<16xf32>,
      tpu.vector_store %arg20[%swap3A_125], %add3A_124 {strides = array<i32>} : memref<16xf32, #tpu.memory_space<vmem>>, vector<16xf32>,
      %get3A_127 = arith.constant 16 : index
      %get3A_128 = tpu.vector_load %arg10[%get3A_127] {strides = array<i32>} : memref<32xi32, #tpu.memory_space<vmem>>, vector<16xi32>,
      %gather3A_129 = tpu.vector_load_idx %arg19[%get3A_128] : memref<1000xf32, #tpu.memory_space<vmem>>[vector<16xi32>], vector<16xf32>,
      %get3A_130 = arith.constant 0 : index
      %get3A_131 = tpu.vector_load %arg20[%get3A_130] {strides = array<i32>} : memref<16xf32, #tpu.memory_space<vmem>>, vector<16xf32>,
      %get3A_132 = arith.constant 16 : index
      %get3A_133 = tpu.vector_load %arg18[%get3A_132] {strides = array<i32>} : memref<32xf32, #tpu.memory_space<vmem>>, vector<16xf32>,
      %sub3A_134 = arith.subf %gather3A_129, %get3A_133 : vector<16xf32>
      %add3A_135 = arith.addf %get3A_131, %sub3A_134 : vector<16xf32>
      %swap3A_136 = arith.constant 0 : index
      %swap3A_137 = tpu.vector_load %arg20[%swap3A_136] {strides = array<i32>} : memref<16xf32, #tpu.memory_space<vmem>>, vector<16xf32>,
      tpu.vector_store %arg20[%swap3A_136], %add3A_135 {strides = array<i32>} : memref<16xf32, #tpu.memory_space<vmem>>, vector<16xf32>,
      %add3A_138 = arith.constant 2 : i32
      %add3A_139 = arith.addi %add3A_106, %add3A_138 : i32
      %lt3A_140 = arith.constant 50 : i32
      %lt3A_141 = arith.cmpi slt, %add3A_139, %lt3A_140 : i32
      %convert_element_type3A_142 = arith.extui %lt3A_141 : i1 to i32
      %cond3A_143 = arith.constant 0 : i32
      %cond3A_144 = arith.cmpi ne, %convert_element_type3A_142, %cond3A_143 : i32
      scf.if %cond3A_144 {
        %add3A_145 = arith.constant 64 : i32
        %add3A_146 = arith.addi %add3A_109, %add3A_145 : i32
        "tpu.region"() ({
          %run_scoped3A = tpu.sem_alloc : memref<!tpu.dma_semaphore, #tpu.memory_space<semaphore_mem>>
          %dma_start3A_173 = tpu.memref_slice %arg4[%add3A_146] : memref<51200xi32, #tpu.memory_space<hbm>> -> memref<32xi32, #tpu.memory_space<hbm>>
          %dma_start3A_174 = tpu.memref_slice %arg4[%add3A_146] : memref<51200xi32, #tpu.memory_space<hbm>> -> memref<32xi32, #tpu.memory_space<hbm>>
          tpu.enqueue_dma source(%dma_start3A_174 : memref<32xi32, #tpu.memory_space<hbm>>) target(%arg10 : memref<32xi32, #tpu.memory_space<vmem>>) target_semaphore(%run_scoped3A : memref<!tpu.dma_semaphore, #tpu.memory_space<semaphore_mem>>)
          %dma_wait3A_175 = tpu.memref_slice %arg4[%add3A_146] : memref<51200xi32, #tpu.memory_space<hbm>> -> memref<32xi32, #tpu.memory_space<hbm>>
          %dma_wait3A_176 = tpu.memref_slice %arg4[%add3A_146] : memref<51200xi32, #tpu.memory_space<hbm>> -> memref<32xi32, #tpu.memory_space<hbm>>
          tpu.wait_dma2 semaphore(%run_scoped3A : memref<!tpu.dma_semaphore, #tpu.memory_space<semaphore_mem>>) src(%dma_wait3A_176 : memref<32xi32, #tpu.memory_space<hbm>>) dst(%arg10 : memref<32xi32, #tpu.memory_space<vmem>>)
          tpu.yield
        }) : () -> ()
        "tpu.region"() ({
          %run_scoped3A = tpu.sem_alloc : memref<!tpu.dma_semaphore, #tpu.memory_space<semaphore_mem>>
          %dma_start3A_173 = tpu.memref_slice %arg5[%add3A_146] : memref<51200xi32, #tpu.memory_space<hbm>> -> memref<32xi32, #tpu.memory_space<hbm>>
          %dma_start3A_174 = tpu.memref_slice %arg5[%add3A_146] : memref<51200xi32, #tpu.memory_space<hbm>> -> memref<32xi32, #tpu.memory_space<hbm>>
          tpu.enqueue_dma source(%dma_start3A_174 : memref<32xi32, #tpu.memory_space<hbm>>) target(%arg12 : memref<32xi32, #tpu.memory_space<vmem>>) target_semaphore(%run_scoped3A : memref<!tpu.dma_semaphore, #tpu.memory_space<semaphore_mem>>)
          %dma_wait3A_175 = tpu.memref_slice %arg5[%add3A_146] : memref<51200xi32, #tpu.memory_space<hbm>> -> memref<32xi32, #tpu.memory_space<hbm>>
          %dma_wait3A_176 = tpu.memref_slice %arg5[%add3A_146] : memref<51200xi32, #tpu.memory_space<hbm>> -> memref<32xi32, #tpu.memory_space<hbm>>
          tpu.wait_dma2 semaphore(%run_scoped3A : memref<!tpu.dma_semaphore, #tpu.memory_space<semaphore_mem>>) src(%dma_wait3A_176 : memref<32xi32, #tpu.memory_space<hbm>>) dst(%arg12 : memref<32xi32, #tpu.memory_space<vmem>>)
          tpu.yield
        }) : () -> ()
        %dma_start3A_147 = arith.constant 0 : i32
        %dma_start3A_148 = arith.constant 0 : i32
        %dma_start3A_149 = arith.constant 0 : i32
        %dma_start3A_150 = tpu.memref_slice %arg2[%dma_start3A_147, %dma_start3A_148, %dma_start3A_149] : memref<1000x8x128xf32, #tpu.memory_space<hbm>> -> memref<1000x8x128xf32, #tpu.memory_space<hbm>>
        tpu.enqueue_indirect_dma source(%dma_start3A_150 : memref<1000x8x128xf32, #tpu.memory_space<hbm>>) target(%arg14 : memref<32x8x128xf32, #tpu.memory_space<vmem>>) offsets(%arg10 : memref<32xi32, #tpu.memory_space<vmem>>) semaphore(%arg22 : memref<!tpu.dma_semaphore, #tpu.memory_space<semaphore_mem>>)
        %get3A_151 = arith.constant 0 : index
        %get3A_152 = tpu.vector_load %arg10[%get3A_151] {strides = array<i32>} : memref<32xi32, #tpu.memory_space<vmem>>, vector<16xi32>,
        %mul3A_153 = arith.constant 1000 : i32
        %mul3A_154 = vector.broadcast %mul3A_153 : i32 to vector<16xi32>
        %mul3A_155 = arith.muli %get3A_152, %mul3A_154 : vector<16xi32>
        %get3A_156 = arith.constant 0 : index
        %get3A_157 = tpu.vector_load %arg12[%get3A_156] {strides = array<i32>} : memref<32xi32, #tpu.memory_space<vmem>>, vector<16xi32>,
        %add3A_158 = arith.addi %mul3A_155, %get3A_157 : vector<16xi32>
        %swap3A_159 = arith.constant 0 : index
        %swap3A_160 = tpu.vector_load %arg16[%swap3A_159] {strides = array<i32>} : memref<32xi32, #tpu.memory_space<vmem>>, vector<16xi32>,
        tpu.vector_store %arg16[%swap3A_159], %add3A_158 {strides = array<i32>} : memref<32xi32, #tpu.memory_space<vmem>>, vector<16xi32>,
        %get3A_161 = arith.constant 16 : index
        %get3A_162 = tpu.vector_load %arg10[%get3A_161] {strides = array<i32>} : memref<32xi32, #tpu.memory_space<vmem>>, vector<16xi32>,
        %mul3A_163 = arith.constant 1000 : i32
        %mul3A_164 = vector.broadcast %mul3A_163 : i32 to vector<16xi32>
        %mul3A_165 = arith.muli %get3A_162, %mul3A_164 : vector<16xi32>
        %get3A_166 = arith.constant 16 : index
        %get3A_167 = tpu.vector_load %arg12[%get3A_166] {strides = array<i32>} : memref<32xi32, #tpu.memory_space<vmem>>, vector<16xi32>,
        %add3A_168 = arith.addi %mul3A_165, %get3A_167 : vector<16xi32>
        %swap3A_169 = arith.constant 16 : index
        %swap3A_170 = tpu.vector_load %arg16[%swap3A_169] {strides = array<i32>} : memref<32xi32, #tpu.memory_space<vmem>>, vector<16xi32>,
        tpu.vector_store %arg16[%swap3A_169], %add3A_168 {strides = array<i32>} : memref<32xi32, #tpu.memory_space<vmem>>, vector<16xi32>,
        %dma_start3A_171 = arith.constant 0 : i32
        %dma_start3A_172 = tpu.memref_slice %arg3[%dma_start3A_171] : memref<1000000xf32, #tpu.memory_space<hbm>> -> memref<1000000xf32, #tpu.memory_space<hbm>>
        tpu.enqueue_indirect_dma source(%dma_start3A_172 : memref<1000000xf32, #tpu.memory_space<hbm>>) target(%arg18 : memref<32xf32, #tpu.memory_space<vmem>>) offsets(%arg16 : memref<32xi32, #tpu.memory_space<vmem>>) semaphore(%arg24 : memref<!tpu.dma_semaphore, #tpu.memory_space<semaphore_mem>>)
      } else {
      }
    }
    %scan3A_63 = arith.constant 25 : i32
    %mul3A_64 = arith.constant 16 : i32
    %mul3A_65 = arith.muli %add3A, %mul3A_64 : i32
    "tpu.region"() ({
      %run_scoped3A = tpu.sem_alloc : memref<!tpu.dma_semaphore, #tpu.memory_space<semaphore_mem>>
      %dma_start3A_66 = tpu.memref_slice %arg8[%mul3A_65] : memref<512xf32, #tpu.memory_space<hbm>> -> memref<16xf32, #tpu.memory_space<hbm>>
      %dma_start3A_67 = tpu.memref_slice %arg8[%mul3A_65] : memref<512xf32, #tpu.memory_space<hbm>> -> memref<16xf32, #tpu.memory_space<hbm>>
      tpu.enqueue_dma source(%arg20 : memref<16xf32, #tpu.memory_space<vmem>>) target(%dma_start3A_67 : memref<16xf32, #tpu.memory_space<hbm>>) target_semaphore(%run_scoped3A : memref<!tpu.dma_semaphore, #tpu.memory_space<semaphore_mem>>)
      %dma_wait3A = tpu.memref_slice %arg8[%mul3A_65] : memref<512xf32, #tpu.memory_space<hbm>> -> memref<16xf32, #tpu.memory_space<hbm>>
      %dma_wait3A_68 = tpu.memref_slice %arg8[%mul3A_65] : memref<512xf32, #tpu.memory_space<hbm>> -> memref<16xf32, #tpu.memory_space<hbm>>
      tpu.wait_dma2 semaphore(%run_scoped3A : memref<!tpu.dma_semaphore, #tpu.memory_space<semaphore_mem>>) src(%arg20 : memref<16xf32, #tpu.memory_space<vmem>>) dst(%dma_wait3A_68 : memref<16xf32, #tpu.memory_space<hbm>>)
      tpu.yield
    }) : () -> ()
    return
  }
}

module attributes {stable_mosaic.version = 14 : i64} {
  func.func @_lse_body(%arg0: memref<1000x1000xf32, #tpu.memory_space<vmem>>, %arg1: memref<1000x1xf32, #tpu.memory_space<vmem>>) attributes {dimension_semantics = [], scalar_prefetch = 0 : i64, scratch_operands = 0 : i64, tpu.core_type = #tpu.core_type<tc>} {
    %get3A = arith.constant 0 : index
    %get3A_0 = arith.constant 0 : index
    %get3A_1 = vector.load %arg0[%get3A, %get3A_0] : memref<1000x1000xf32, #tpu.memory_space<vmem>>, vector<1000x1000xf32>
    %reduce_max3A = arith.constant dense<0xFF800000> : vector<1000xf32>
    %reduce_max3A_2 = vector.multi_reduction <maximumf>, %get3A_1, %reduce_max3A [1] : vector<1000x1000xf32> to vector<1000xf32>
    %broadcast_in_dim3A = vector.shape_cast %reduce_max3A_2 : vector<1000xf32> to vector<1000x1xf32>
    %sub3A = vector.broadcast %broadcast_in_dim3A : vector<1000x1xf32> to vector<1000x1000xf32>
    %sub3A_3 = arith.subf %get3A_1, %sub3A : vector<1000x1000xf32>
    %exp3A = math.exp %sub3A_3 : vector<1000x1000xf32>
    %reduce_sum3A = arith.constant dense<0.000000e+00> : vector<1000xf32>
    %reduce_sum3A_4 = vector.multi_reduction <add>, %exp3A, %reduce_sum3A [1] : vector<1000x1000xf32> to vector<1000xf32>
    %broadcast_in_dim3A_5 = vector.shape_cast %reduce_sum3A_4 : vector<1000xf32> to vector<1000x1xf32>
    %log3A = math.log %broadcast_in_dim3A_5 : vector<1000x1xf32>
    %add3A = arith.addf %broadcast_in_dim3A, %log3A : vector<1000x1xf32>
    %swap3A = arith.constant 0 : index
    %swap3A_6 = arith.constant 0 : index
    %swap3A_7 = vector.load %arg1[%swap3A, %swap3A_6] : memref<1000x1xf32, #tpu.memory_space<vmem>>, vector<1000x1xf32>
    tpu.vector_store %arg1[%swap3A, %swap3A_6], %add3A {strides = array<i32>} : memref<1000x1xf32, #tpu.memory_space<vmem>>, vector<1000x1xf32>,
    return
  }
}

</mosaic_0001>

<sc_bundles>
// kernel: kernel.4.cloned.1.call-start
scs
__scs_entry_jumppad:
0x0: {  	(pc) =	sbr.rel $0x88, $3  }
0x1: {  	(tag) =	ssettag $0x0;
	lr =	simm.s32 $0x1  }
0x2: {  	[smem:$0x3F9E] =	sst lr;
	_ =	strace $0xD0000000  }
0x3: {  	_ = 	snop  }
0x4: {  	_ = 	snop  }
0x5: {  	_ = 	snop  }
0x6: {  	_ = 	snop  }
0x7: {  	_ = 	snop  }
__scs_overlays_trampoline_lowered:
0x8: {  	[smem:$0x3FAD] =	sst s0  }
0x9: {  	[smem:$0x3FAE] =	sst s1  }
0xa: {  	[smem:$0x3FAF] =	sst s2  }
0xb: {  	[smem:$0x3FB0] =	sst s3  }
0xc: {  	[smem:$0x3FB1] =	sst s4  }
0xd: {  	[smem:$0x3FB2] =	sst s5  }
0xe: {  	[smem:$0x3FB3] =	sst s6  }
0xf: {  	[smem:$0x3FB4] =	sst s7  }
0x10: {  	[smem:$0x3FB5] =	sst s8  }
0x11: {  	[smem:$0x3FB6] =	sst s9;
	s0 =	simm.s32 @!p0 $0x0  }
0x12: {  	s1 =	sld [smem:$0x3F9C];
	s0 =	simm.s32 @p0 $0x1  }
0x13: {  	[smem:$0x3FB7] =	sst s0;
	s0 =	simm.s32 @!p1 $0x0  }
0x14: {  	s2 =	sld [smem:$0x3F9B];
	s0 =	simm.s32 @p1 $0x1  }
0x15: {  	[smem:$0x3FB8] =	sst s0;
	s0 =	simm.s32 @!p2 $0x0  }
0x16: {  	s3 =	sld [smem:$0x3FDB];
	s0 =	simm.s32 @p2 $0x1  }
0x17: {  	s4 =	simm.s32 $0x1BF5;
	[smem:$0x3FBA] =	sst s0  }
0x18: {  	s0 =	sld [smem:$0x3F9D];
	_ =	swait.ge [sflag:s4], $0x0  }
0x19: {  	s7 =	sld [smem:$0x3F9E]  }
0x1a: {  	s8 =	sadd.s32 $0xFFFFE003, lr  }
0x1b: {  	s9 =	sadd.s32 $0xFFFFFEF7, lr;
	s5 =	simm.s32 $0xFFFFFFFF;
	p2 =	slt.u32 s8, $0xFFFFF086  }
0x1c: {  	p1 =	slt.u32 s9, $0xF7A;
	s5 =	simm.s32 @!p2 $0x0  }
0x1d: {  	s5 =	simm.s32 @p1 $0x1;
	p0 =	seq.s32 s7, s2  }
0x1e: {  	s7 =	smul.u32 @!p0 $0xF7A, s2;
	p2 =	seq.s32 @!p0 s5, $0x0  }
0x1f: {  	s9 =	smul.u32 $0xF7A, s1;
	s8 =	simm.s32 @!p0 $0x1BF5;
	p2 =	por !p2, p0  }
0x20: {  	[sflag:s8] =	ssyncset.s32 @!p0 $0xFFFFF086;
	s6 =	sadd.s32 @!p0 s3, s7;
	s7 =	simm.s32 @!p0 $0x108  }
0x21: {  	s3 =	sadd.s32 s3, s9;
	s6 =	sadd.s32 @!p0 $0x88, s6;
	s7 =	simm.s32 @p2 $0x1082  }
0x22: {  	[simem:s7], [sflag:s8] =	dma.local @!p0 [hbm:s6], $0xF7A  }
0x23: {  	s9 =	sor.u32 $0xD0000000, s2;
	s6 =	simm.s32 $0x108;
	_ =	swait.ge @!p0 [sflag:s8], $0x0  }
0x24: {  	s3 =	sadd.s32 $0x88, s3;
	s6 =	simm.s32 @!p1 $0x1082;
	[sflag:s4] =	ssyncset.s32 $0xFFFFF086  }
0x25: {  	[simem:s6], [sflag:s4] =	dma.local [hbm:s3], $0xF7A  }
0x26: {  	[smem:$0x3F9E] =	sst s1;
	(tag) =	ssettag s2;
	_ =	strace s9  }
0x27: {  	s1 =	sld [smem:$0x3FAE]  }
0x28: {  	s2 =	sld [smem:$0x3FAF]  }
0x29: {  	s4 =	sld [smem:$0x3FB1]  }
0x2a: {  	p0 =	seq.s32 s5, $0x0;
	s5 =	sld [smem:$0x3FB2]  }
0x2b: {  	s6 =	sld [smem:$0x3FB3]  }
0x2c: {  	s7 =	sld [smem:$0x3FB4]  }
0x2d: {  	s3 =	simm.s32 $0x108;
	s8 =	sld [smem:$0x3FB5]  }
0x2e: {  	s3 =	simm.s32 @!p0 $0x1082;
	s9 =	sld [smem:$0x3FB6]  }
0x2f: {  	lr =	sadd.s32 s0, s3;
	s0 =	sld [smem:$0x3FAD]  }
0x30: {  	s3 =	sld [smem:$0x3FB0]  }
0x31: {  	[smem:$0x3FB9] =	sst s10  }
0x32: {  	s10 =	sld [smem:$0x3FB7];
	_ =	sdelay $0x3  }
0x33: {  	p0 =	seq.s32 s10, $0x1;
	s10 =	sld [smem:$0x3FB9];
	_ =	sdelay $0x3  }
0x34: {  	[smem:$0x3FB9] =	sst s10  }
0x35: {  	s10 =	sld [smem:$0x3FB8];
	_ =	sdelay $0x3  }
0x36: {  	p1 =	seq.s32 s10, $0x1;
	s10 =	sld [smem:$0x3FB9];
	_ =	sdelay $0x3  }
0x37: {  	[smem:$0x3FB9] =	sst s10  }
0x38: {  	s10 =	sld [smem:$0x3FBA]  }
0x39: {  	_ = 	snop;
	(pc) =	sbr.ind lr, $3  }
0x3a: {  	_ = 	snop  }
0x3b: {  	_ = 	snop  }
0x3c: {  	p2 =	seq.s32 s10, $0x1;
	s10 =	sld [smem:$0x3FB9]  }
0x3d: {  	_ =	shalt  }
0x3e: {  	_ =	shalt  }
0x3f: {  	_ =	shalt  }
0x40: {  	_ =	shalt  }
0x41: {  	_ =	shalt  }
0x42: {  	_ =	shalt  }
0x43: {  	_ =	shalt  }
0x44: {  	_ =	shalt  }
0x45: {  	_ =	shalt  }
0x46: {  	_ =	shalt  }
0x47: {  	_ =	shalt  }
0x48: {  	_ =	shalt  }
0x49: {  	_ =	shalt  }
0x4a: {  	_ =	shalt  }
0x4b: {  	_ =	shalt  }
0x4c: {  	_ =	shalt  }
0x4d: {  	_ =	shalt  }
0x4e: {  	_ =	shalt  }
0x4f: {  	_ =	shalt  }
0x50: {  	_ =	shalt  }
0x51: {  	_ =	shalt  }
0x52: {  	_ =	shalt  }
0x53: {  	_ =	shalt  }
0x54: {  	_ =	shalt  }
0x55: {  	_ =	shalt  }
0x56: {  	_ =	shalt  }
0x57: {  	_ =	shalt  }
0x58: {  	_ =	shalt  }
0x59: {  	_ =	shalt  }
0x5a: {  	_ =	shalt  }
0x5b: {  	_ =	shalt  }
0x5c: {  	_ =	shalt  }
0x5d: {  	_ =	shalt  }
0x5e: {  	_ =	shalt  }
0x5f: {  	_ =	shalt  }
0x60: {  	_ =	shalt  }
0x61: {  	_ =	shalt  }
0x62: {  	_ =	shalt  }
0x63: {  	_ =	shalt  }
0x64: {  	_ =	shalt  }
0x65: {  	_ =	shalt  }
0x66: {  	_ =	shalt  }
0x67: {  	_ =	shalt  }
0x68: {  	_ =	shalt  }
0x69: {  	_ =	shalt  }
0x6a: {  	_ =	shalt  }
0x6b: {  	_ =	shalt  }
0x6c: {  	_ =	shalt  }
0x6d: {  	_ =	shalt  }
0x6e: {  	_ =	shalt  }
0x6f: {  	_ =	shalt  }
0x70: {  	_ =	shalt  }
0x71: {  	_ =	shalt  }
0x72: {  	_ =	shalt  }
0x73: {  	_ =	shalt  }
0x74: {  	_ =	shalt  }
0x75: {  	_ =	shalt  }
0x76: {  	_ =	shalt  }
0x77: {  	_ =	shalt  }
0x78: {  	_ =	shalt  }
0x79: {  	_ =	shalt  }
0x7a: {  	_ =	shalt  }
0x7b: {  	_ =	shalt  }
0x7c: {  	_ =	shalt  }
0x7d: {  	_ =	shalt  }
0x7e: {  	_ =	shalt  }
0x7f: {  	_ =	shalt  }
0x80: {  	_ =	shalt  }
0x81: {  	_ =	shalt  }
0x82: {  	_ =	shalt  }
0x83: {  	_ =	shalt  }
0x84: {  	_ =	shalt  }
0x85: {  	_ =	shalt  }
0x86: {  	_ =	shalt  }
0x87: {  	_ =	shalt  }
.Lfunc_end0:
.L_simem_size_0:
called_computation.1_lowered:
.L_overlay_start_0:
0x88: {  	s2 =	sld [smem:$0x3FD9]  }
0x89: {  	s3 =	sld [smem:$0x3FFE];
	_ =	sdelay $0x1  }
0x8a: {  	s1 =	srdreg.scid  }
0x8b: {  	s0 =	sand.u32 $0x1, s1  }
0x8c: {  	s14 =	sshll.u32 s0, $0xA;
	s2 =	sadd.s32 s3, s2  }
0x8d: {  	s2 =	sadd.s32 s2, s14  }
0x8e: {  	[smem:$0x3FC5] =	sst s2  }
0x8f: {  	_ = 	snop  }
0x90: {  	s2 =	sld [smem:$0x3FD0];
	_ =	sdelay $0x2  }
0x91: {  	s15 =	simm.s32 $0xA;
	s4 =	simm.s32 $0x10  }
0x92: {  	[smem:s4], [sflag:s15] =	dma.local [hbm:s2], $0x1  }
0x93: {  	_ =	swait.eq [sflag:s15], $0x1  }
0x94: {  	[sflag:s15] =	ssyncset.done $0x0  }
0x95: {  	[sflag:s15] =	ssyncadd.s32 $0xFFFFFFFF  }
0x96: {  	s16 =	sld [smem:$0x10];
	(tm) =	ssettm $0x1  }
0x97: {  	s17 =	sld [smem:$0x3FFB];
	_ =	sdelay $0x3  }
0x98: {  	_ =	strace s17  }
0x99: {  	s3 =	sld [smem:$0x3FFC];
	_ =	sdelay $0x3  }
0x9a: {  	_ =	strace s3  }
0x9b: {  	s3 =	sld [smem:$0x3FFD];
	_ =	sdelay $0x3  }
0x9c: {  	_ =	strace s3  }
0x9d: {  	_ =	strace $0x8FFFFFFF  }
0x9e: {  	s18 =	sld [smem:$0x3FDB];
	_ =	sdelay $0x1  }
0x9f: {  	s19 =	simm.s32 $_scs_section_size  }
0xa0: {  	s5 =	simm.s32 $_size__tile_overlayer_lowered;
	s6 =	simm.s32 $_tile_overlayer_lowered  }
0xa1: {  	s22 =	simm.s32 $0x1BFF;
	s21 =	sshll.u32 s6, $0x1;
	s3 =	sadd.s32 s19, s18  }
0xa2: {  	s7 =	simm.s32 $0x0;
	s20 =	sshll.u32 s5, $0x1;
	s5 =	sadd.s32 s21, s3  }
0xa3: {  	[timem:s7], [sflag:s22] =	dma.local [hbm:s5], s20  }
0xa4: {  	_ =	swait.ge [sflag:s22], s20  }
0xa5: {  	s4 =	ssub.s32 $0x0, s20;
	[sflag:s22] =	ssyncset.done $0x0  }
0xa6: {  	[sflag:s22] =	ssyncadd.s32 s4;
	_ =	sdelay $0x1  }
0xa7: {  	s23 =	simm.s32 $0x1B8B  }
0xa8: {  	_ =	swait.ge [sflag:s23], $0x1  }
0xa9: {  	[sflag:s23] =	ssyncset.done $0x0  }
0xaa: {  	s25 =	simm.s32 $0x1B8E;
	s24 =	sld [smem:$0x3FFE];
	[sflag:s23] =	ssyncadd.s32 $0xFFFFFFFF  }
0xab: {  	s26 =	simm.s32 $execute0_lowered;
	[smem:$0x3FD2] =	sst s25  }
0xac: {  	s5 =	sshll.u32 s26, $0x1;
	_ =	strace $0x80000046;
	[dreg:$0x1] =	wrdreg $0xFFFFFFFF  }
0xad: {  	s28 =	simm.s32 $_size_execute0_lowered;
	s3 =	sadd.s32 s3, s5;
	[dreg:$0x0] =	wrdreg $0x0  }
0xae: {  	s5 =	sshll.u32 s28, $0x1;
	[dreg:$0x2] =	wrdreg s3  }
0xaf: {  	[dreg:$0x3] =	wrdreg s5  }
0xb0: {  	[dreg:$0x4] =	wrdreg $0xC0  }
0xb1: {  	_ =	task [dreg:s7], $0x5FFFF  }
0xb2: {  	[dreg:$0x1] =	wrdreg $0xFFFFFFFF  }
0xb3: {  	[dreg:$0x0] =	wrdreg $0x60  }
0xb4: {  	[dreg:$0x2] =	wrdreg s16  }
0xb5: {  	[dreg:$0x3] =	wrdreg s24  }
0xb6: {  	[dreg:$0x4] =	wrdreg $0x9  }
0xb7: {  	_ =	task.clear_ibuf [dreg:s7], $0x5FFFF;
	_ =	strace $0x90000046  }
0xb8: {  	s29 =	simm.s32 $0x9;
	_ =	strace $0x80000048  }
0xb9: {  	_ =	swait.ge [sflag:s29], $0x1  }
0xba: {  	[sflag:s29] =	ssyncadd.s32 $0xFFFFFFFF  }
0xbb: {  	_ =	strace $0x90000048  }
0xbc: {  	_ =	sfence  }
0xbd: {  	s30 =	sld [smem:$0x0];
	_ =	sdelay $0x2  }
0xbe: {  	s31 =	sshll.u32 s1, $0xD;
	s1 =	sshrl.u32 s1, $0x2  }
0xbf: {  	s3 =	sand.u32 $0x4000, s31;
	s1 =	sadd.s32 s1, s30  }
0xc0: {  	s0 =	sor.u32 s3, s0;
	s1 =	sshll.u32 s1, $0x11  }
0xc1: {  	s0 =	sor.u32 s1, s0  }
0xc2: {  	s0 =	sadd.s32 $0x8F2B, s0  }
0xc3: {  	[sflag:s0] =	ssyncadd.remote.s32 $0x1  }
0xc4: {  	_ =	sfence.sel $0xFFFF  }
0xc5: {  	[dreg:$0x0] =	wrdreg $0xFFFFFFFF;
	(pc) =	sbr.abs _section_cstart, $3  }
0xc6: {  	[dreg:$0x1] =	wrdreg $0xFFFFFFFF  }
0xc7: {  	_ =	task.clear_ibuf [dreg:s7], $0x2FFFF;
	_ =	strace $0x9FFFFFFF  }
0xc8: {  	(tm) =	ssettm $0x7FFFFFFF  }
0xc9: {  	_ =	shalt  }
tec
execute0_lowered:
.L_overlay_start_1:
0x0: {  	(tag) =	ssettag $0x1  }
0x1: {  	s1 =	rddreg [dreg:$0x0]  }
0x2: {  	s0 =	rddreg [dreg:$0x1]  }
0x3: {  	s3 =	simm.s32 $0x0;
	s2 =	srdreg.scid;
	s10 =	stileid.u32  }
0x4: {  	s28 =	simm.s32 $0x8080;
	s29 =	simm.s32 $0x100A0;
	s30 =	simm.s32 $0x100E0  }
0x5: {  	s31 =	simm.s32 $0x1;
	[smem:$0x7FF] =	sst s3;
	s4 =	sadd.s32 $0x600, s0  }
0x6: {  	s2 =	sand.u32 $0x1, s2;
	s7 =	sshll.u32 s10, $0x1;
	s5 =	sadd.s32 $0x1F000, s0  }
0x7: {  	s6 =	sadd.s32 $0x20A00, s0;
	s8 =	sadd.s32 $0x22400, s0;
	s13 =	smul.u32 $0xC80, s10  }
0x8: {  	s14 =	sadd.s32 $0x22800, s0;
	s25 =	smul.u32 $0x64000, s10;
	_ =	strace $0x80000047  }
0x9: {  	s7 =	sor.u32 s2, s7;
	[dreg:$0x3] =	wrdreg s8;
	s15 =	smul.u32 $0x640, s2  }
0xa: {  	s18 =	ssub.s32 $0x2, s2;
	s17 =	sshll.u32 s7, $0x1;
	s7 =	smul.u32 $0x640, s7  }
0xb: {  	s2 =	smul.u32 $0x32000, s2;
	s9 =	sshrl.u32 s18, $0x1;
	s0 =	sadd.s32 s17, s0  }
0xc: {  	s8 =	ssub.s32 s18, s9;
	s22 =	sadd.s32 s15, s13;
	s7 =	sshrl.u32 s7, $0x3  }
0xd: {  	s0 =	sadd.s32 $0x22600, s0;
	s23 =	smax.u32 s8, $0x1;
	s24 =	sshll.u32 s22, $0x7  }
0xe: {  	s15 =	sadd.s32 $0x60, s22;
	s8 =	sadd.s32 s25, s14;
	s25 =	simm.s32 $0x0  }
0xf: {  	s19 =	sor.u32 $0x4, s7;
	s11 =	sadd.s32 s5, s7;
	[dreg:$0x8] =	wrdreg s0  }
0x10: {  	s7 =	sadd.s32 s6, s7;
	[dreg:$0x9] =	wrdreg s23;
	s26 =	sshrl.u32 s15, $0x3  }
0x11: {  	s23 =	simm.s32 $0x80;
	s0 =	simm.s32 $0x3;
	[dreg:$0x4] =	wrdreg s11  }
0x12: {  	[dreg:$0x5] =	wrdreg s7;
	s20 =	sadd.s32 s5, s19;
	s21 =	sadd.s32 s6, s19  }
.Ltmp0:
0x13: {  	s7 =	sadd.s32 s24, s14;
	s15 =	sadd.s32 s26, s6;
	(pc) =	sbr.rel .LBB2_1-.Ltmp0, $4  }
0x14: {  	s16 =	sadd.s32 s26, s5;
	s24 =	sadd.s32 $0x40, s22;
	s19 =	simm.s32 $0x10100  }
0x15: {  	s22 =	simm.s32 $0x20;
	s26 =	simm.s32 $0x60;
	[dreg:$0x6] =	wrdreg s20  }
0x16: {  	[dreg:$0x7] =	wrdreg s21;
	s9 =	sadd.s32 $0x1000, s7;
	s7 =	sadd.s32 s2, s8  }
0x17: {  	v0 =	vimm.f32 $0.0e+00;
	s20 =	simm.s32 $0x5;
	s2 =	simm.s32 $0x2;
	s21 =	simm.s32 $0x4  }
.LBB2_4:
0x18: {  	s8 =	rddreg [dreg:$0x8];
	s10 =	simm.s32 $0x104E8  }
0x19: {  	[hbm4b:s8+s3] =	stream.linear.scatter [tilespmem:s10], [sflag:$0x5], $0x10, $0x38;
	[tilespmem:$0x104F8] =	vst v63  }
0x1a: {  	_ =	swait.ge [sflag:s20], $0x10  }
0x1b: {  	s25 =	sadd.s32 $0x1, s25;
	s18 =	rddreg [dreg:$0x9]  }
0x1c: {  	p0 =	sne.s32 s25, s18  }
.Ltmp1:
0x1d: {  	_ = 	snop;
	(pc) =	sbr.rel @!p0 .LBB2_5-.Ltmp1, $3  }
0x1e: {  	_ =	sdelay $0x1  }
0x1f: {  	[sflag:s20] =	ssyncset.done $0x0  }
0x20: {  	[sflag:s20] =	ssyncadd.s32 $0xFFFFFFF0  }
.LBB2_1:
0x21: {  	s8 =	rddreg [dreg:$0x3]  }
0x22: {  	[tilespmem:s19], [sflag:$0x5] =	stream.linear.gather [hbm4b:s8+s3], $0x3E8, $0x38;
	[tilespmem:$0x104F8] =	vst v63  }
0x23: {  	_ =	swait.ge [sflag:s20], $0x3E8  }
0x24: {  	[sflag:s20] =	ssyncset.done $0x0  }
0x25: {  	[sflag:s20] =	ssyncadd.s32 $0xFFFFFC18  }
0x26: {  	s11 =	rddreg [dreg:$0x4];
	[tilespmem:$0x104E8] =	vst v0  }
0x27: {  	[tilespmem:s3], [sflag:$0x5] =	stream.linear.gather [hbm4b:s11+s3], $0x20, $0x38;
	[tilespmem:$0x104F8] =	vst v63  }
0x28: {  	_ =	swait.ge [sflag:s20], $0x20  }
0x29: {  	[sflag:s20] =	ssyncset.done $0x0  }
0x2a: {  	s10 =	simm.s32 $0x40;
	s12 =	rddreg [dreg:$0x5];
	[sflag:s20] =	ssyncadd.s32 $0xFFFFFFE0  }
0x2b: {  	[tilespmem:s10], [sflag:$0x5] =	stream.linear.gather [hbm4b:s12+s3], $0x20, $0x38;
	[tilespmem:$0x104F8] =	vst v63  }
0x2c: {  	_ =	swait.ge [sflag:s20], $0x20  }
0x2d: {  	[sflag:s20] =	ssyncset.done $0x0  }
0x2e: {  	[sflag:s20] =	ssyncadd.s32 $0xFFFFFFE0  }
0x2f: {  	[tilespmem:s23], [sflag:$0x1] =	stream.indirect.gather [hbm4b:s1+s22], $0x400, s3, s22, $0xb8;
	[tilespmem:$0x104F8] =	vst v63  }
0x30: {  	v1 =	vld [tilespmem:$0x0]  }
0x31: {  	v2 =	vld [tilespmem:$0x10]  }
0x32: {  	v3 =	vld [tilespmem:$0x40]  }
0x33: {  	v4 =	vld [tilespmem:$0x50];
	_ =	sdelay $0x1  }
0x34: {  	v1 =	vmul.u32 $0x3E8, v1  }
0x35: {  	v2 =	vmul.u32 $0x3E8, v2  }
0x36: {  	v1 =	vadd.s32 v3, v1  }
0x37: {  	[tilespmem:$0x10080] =	vst v1;
	v1 =	vadd.s32 v4, v2  }
0x38: {  	s13 =	simm.s32 $0x10080;
	s14 =	simm.s32 $0x100C0;
	[tilespmem:$0x10090] =	vst v1  }
0x39: {  	[tilespmem:s14], [sflag:$0x3] =	stream.indirect.gather [hbm4b:s4+s22], $0x1, s13, s22, $0xb8;
	[tilespmem:$0x104F8] =	vst v63  }
0x3a: {  	s17 =	rddreg [dreg:$0x6]  }
0x3b: {  	[tilespmem:s22], [sflag:$0x5] =	stream.linear.gather [hbm4b:s17+s3], $0x20, $0x38;
	[tilespmem:$0x104F8] =	vst v63  }
0x3c: {  	_ =	swait.ge [sflag:s20], $0x20  }
0x3d: {  	[sflag:s20] =	ssyncset.done $0x0  }
0x3e: {  	s18 =	rddreg [dreg:$0x7];
	[sflag:s20] =	ssyncadd.s32 $0xFFFFFFE0  }
0x3f: {  	[tilespmem:s26], [sflag:$0x5] =	stream.linear.gather [hbm4b:s18+s3], $0x20, $0x38;
	[tilespmem:$0x104F8] =	vst v63  }
0x40: {  	_ =	swait.ge [sflag:s20], $0x20  }
0x41: {  	[sflag:s20] =	ssyncset.done $0x0  }
0x42: {  	[sflag:s20] =	ssyncadd.s32 $0xFFFFFFE0  }
0x43: {  	[tilespmem:s28], [sflag:$0x2] =	stream.indirect.gather [hbm4b:s1+s22], $0x400, s22, s22, $0xb8;
	[tilespmem:$0x104F8] =	vst v63  }
0x44: {  	v1 =	vld [tilespmem:$0x20]  }
0x45: {  	v2 =	vld [tilespmem:$0x30]  }
0x46: {  	v3 =	vld [tilespmem:$0x60]  }
0x47: {  	v63 =	vld [tilespmem:$0x70];
	_ =	sdelay $0x1  }
0x48: {  	v1 =	vmul.u32 $0x3E8, v1  }
0x49: {  	v2 =	vmul.u32 $0x3E8, v2  }
0x4a: {  	v1 =	vadd.s32 v3, v1  }
0x4b: {  	s8 =	simm.s32 $0x0;
	[tilespmem:$0x100A0] =	vst v1;
	v1 =	vadd.s32 v63, v2  }
0x4c: {  	s14 =	smov.u32 s9;
	s17 =	smov.u32 s7;
	s18 =	smov.u32 s24;
	[tilespmem:$0x100B0] =	vst v1  }
0x4d: {  	[tilespmem:s30], [sflag:$0x4] =	stream.indirect.gather [hbm4b:s4+s22], $0x1, s29, s22, $0xb8;
	[tilespmem:$0x104F8] =	vst v63  }
.LBB2_2:
0x4e: {  	_ =	swait.ge [sflag:s31], $0x8000  }
0x4f: {  	[sflag:s31] =	ssyncset.done $0x0  }
0x50: {  	[sflag:s31] =	ssyncadd.s32 $0xFFFF8000  }
0x51: {  	[hbm4b:s17+s3] =	stream.linear.scatter [tilespmem:s23], [sflag:$0x5], $0x8000, $0x38;
	[tilespmem:$0x104F8] =	vst v63  }
0x52: {  	_ =	swait.ge [sflag:s20], $0x8000  }
0x53: {  	[sflag:s20] =	ssyncset.done $0x0  }
0x54: {  	[sflag:s20] =	ssyncadd.s32 $0xFFFF8000  }
0x55: {  	_ =	swait.ge [sflag:s0], $0x20  }
0x56: {  	[sflag:s0] =	ssyncset.done $0x0  }
0x57: {  	[sflag:s0] =	ssyncadd.s32 $0xFFFFFFE0  }
0x58: {  	v1 =	vld [tilespmem:$0x0];
	_ =	sdelay $0x6  }
0x59: {  	v2 =	vld [tilespmem:$0x100C0]  }
0x5a: {  	v1 =	vld.idx.msk [tilespmem:v1+s19+$0x0], $0xffff  }
0x5b: {  	v3 =	vld [tilespmem:$0x104E8]  }
0x5c: {  	v4 =	vld [tilespmem:$0x10];
	_ =	sdelay $0x2  }
0x5d: {  	v1 =	vsub.f32 v1, v2;
	_ =	sdelay $0x1  }
0x5e: {  	v1 =	vadd.f32 v1, v3;
	_ =	sdelay $0x1  }
0x5f: {  	v3 =	vld [tilespmem:$0x100D0];
	[tilespmem:$0x104E8] =	vst v1  }
0x60: {  	v2 =	vld.idx.msk [tilespmem:v4+s19+$0x0], $0xffff;
	_ =	sdelay $0x4  }
0x61: {  	v2 =	vsub.f32 v2, v3;
	_ =	sdelay $0x1  }
0x62: {  	p0 =	seq.s32 s8, $0xC0;
	v1 =	vadd.f32 v2, v1  }
0x63: {  	s10 =	sshrl.u32 @!p0 s18, $0x3  }
0x64: {  	s12 =	simm.s32 @!p0 $0x0;
	s11 =	sadd.s32 @!p0 s5, s10;
	[tilespmem:$0x104E8] =	vst v1  }
0x65: {  	[tilespmem:s12], [sflag:$0x5] =	stream.linear.gather @!p0 [hbm4b:s11+s12], $0x20, $0x38;
	[tilespmem:$0x104F8] =	vst v63  }
0x66: {  	s11 =	simm.s32 @!p0 $0x5  }
0x67: {  	_ =	swait.ge @!p0 [sflag:s11], $0x20  }
0x68: {  	[sflag:s11] =	ssyncset.done @!p0 $0x0  }
0x69: {  	s13 =	simm.s32 @!p0 $0x40;
	s10 =	sadd.s32 @!p0 s6, s10;
	[sflag:s11] =	ssyncadd.s32 @!p0 $0xFFFFFFE0  }
0x6a: {  	[tilespmem:s13], [sflag:$0x5] =	stream.linear.gather @!p0 [hbm4b:s10+s12], $0x20, $0x38;
	[tilespmem:$0x104F8] =	vst v63  }
0x6b: {  	_ =	swait.ge @!p0 [sflag:s11], $0x20  }
0x6c: {  	[sflag:s11] =	ssyncset.done @!p0 $0x0  }
0x6d: {  	s10 =	simm.s32 @!p0 $0x20;
	[sflag:s11] =	ssyncadd.s32 @!p0 $0xFFFFFFE0;
	s11 =	simm.s32 @!p0 $0x80  }
0x6e: {  	[tilespmem:s11], [sflag:$0x1] =	stream.indirect.gather @!p0 [hbm4b:s1+s10], $0x400, s12, s10, $0xb8;
	[tilespmem:$0x104F8] =	vst v63  }
0x6f: {  	v1 =	vld @!p0 [tilespmem:$0x0]  }
0x70: {  	v2 =	vld @!p0 [tilespmem:$0x10]  }
0x71: {  	v3 =	vld @!p0 [tilespmem:$0x40]  }
0x72: {  	v4 =	vld @!p0 [tilespmem:$0x50];
	_ =	sdelay $0x1  }
0x73: {  	v1 =	vmul.u32 @!p0 $0x3E8, v1  }
0x74: {  	v2 =	vmul.u32 @!p0 $0x3E8, v2  }
0x75: {  	v1 =	vadd.s32 @!p0 v3, v1  }
0x76: {  	[tilespmem:$0x10080] =	vst @!p0 v1;
	v1 =	vadd.s32 @!p0 v4, v2  }
0x77: {  	s11 =	simm.s32 @!p0 $0x10080;
	s12 =	simm.s32 @!p0 $0x100C0;
	[tilespmem:$0x10090] =	vst @!p0 v1  }
0x78: {  	[tilespmem:s12], [sflag:$0x3] =	stream.indirect.gather @!p0 [hbm4b:s4+s10], $0x1, s11, s10, $0xb8;
	[tilespmem:$0x104F8] =	vst v63  }
0x79: {  	_ =	swait.ge [sflag:s2], $0x8000  }
0x7a: {  	[sflag:s2] =	ssyncset.done $0x0  }
0x7b: {  	[sflag:s2] =	ssyncadd.s32 $0xFFFF8000  }
0x7c: {  	[hbm4b:s14+s3] =	stream.linear.scatter [tilespmem:s28], [sflag:$0x5], $0x8000, $0x38;
	[tilespmem:$0x104F8] =	vst v63  }
0x7d: {  	_ =	swait.ge [sflag:s20], $0x8000  }
0x7e: {  	[sflag:s20] =	ssyncset.done $0x0  }
0x7f: {  	[sflag:s20] =	ssyncadd.s32 $0xFFFF8000  }
0x80: {  	_ =	swait.ge [sflag:s21], $0x20  }
0x81: {  	[sflag:s21] =	ssyncset.done $0x0  }
0x82: {  	[sflag:s21] =	ssyncadd.s32 $0xFFFFFFE0  }
0x83: {  	v1 =	vld [tilespmem:$0x20];
	_ =	sdelay $0x6  }
0x84: {  	v2 =	vld [tilespmem:$0x100E0]  }
0x85: {  	v1 =	vld.idx.msk [tilespmem:v1+s19+$0x0], $0xffff  }
0x86: {  	v3 =	vld [tilespmem:$0x104E8]  }
0x87: {  	v63 =	vld [tilespmem:$0x30];
	_ =	sdelay $0x2  }
0x88: {  	v1 =	vsub.f32 v1, v2;
	_ =	sdelay $0x1  }
0x89: {  	v1 =	vadd.f32 v1, v3;
	_ =	sdelay $0x1  }
0x8a: {  	v3 =	vld [tilespmem:$0x100F0];
	[tilespmem:$0x104E8] =	vst v1  }
0x8b: {  	v2 =	vld.idx.msk [tilespmem:v63+s19+$0x0], $0xffff;
	_ =	sdelay $0x4  }
.Ltmp2:
0x8c: {  	v2 =	vsub.f32 v2, v3;
	(pc) =	sbr.rel @p0 .LBB2_4-.Ltmp2, $3  }
0x8d: {  	_ = 	snop  }
0x8e: {  	v1 =	vadd.f32 v2, v1;
	_ =	sdelay $0x1  }
0x8f: {  	[tilespmem:$0x104E8] =	vst v1  }
0x90: {  	s10 =	sadd.s32 s8, s16  }
0x91: {  	[tilespmem:s22], [sflag:$0x5] =	stream.linear.gather [hbm4b:s10+s3], $0x20, $0x38;
	[tilespmem:$0x104F8] =	vst v63  }
0x92: {  	_ =	swait.ge [sflag:s20], $0x20  }
0x93: {  	[sflag:s20] =	ssyncset.done $0x0  }
0x94: {  	s13 =	sadd.s32 s8, s15;
	[sflag:s20] =	ssyncadd.s32 $0xFFFFFFE0  }
0x95: {  	[tilespmem:s26], [sflag:$0x5] =	stream.linear.gather [hbm4b:s13+s3], $0x20, $0x38;
	[tilespmem:$0x104F8] =	vst v63  }
0x96: {  	_ =	swait.ge [sflag:s20], $0x20  }
0x97: {  	[sflag:s20] =	ssyncset.done $0x0  }
0x98: {  	[sflag:s20] =	ssyncadd.s32 $0xFFFFFFE0  }
0x99: {  	[tilespmem:s28], [sflag:$0x2] =	stream.indirect.gather [hbm4b:s1+s22], $0x400, s22, s22, $0xb8;
	[tilespmem:$0x104F8] =	vst v63  }
0x9a: {  	v1 =	vld [tilespmem:$0x20]  }
0x9b: {  	v2 =	vld [tilespmem:$0x30]  }
0x9c: {  	v3 =	vld [tilespmem:$0x60]  }
0x9d: {  	v4 =	vld [tilespmem:$0x70];
	_ =	sdelay $0x1  }
0x9e: {  	v1 =	vmul.u32 $0x3E8, v1  }
.Ltmp3:
0x9f: {  	v2 =	vmul.u32 $0x3E8, v2;
	(pc) =	sbr.rel .LBB2_2-.Ltmp3, $4  }
0xa0: {  	v1 =	vadd.s32 v3, v1  }
0xa1: {  	s14 =	sadd.s32 $0x2000, s14;
	[tilespmem:$0x100A0] =	vst v1;
	v1 =	vadd.s32 v4, v2  }
0xa2: {  	s8 =	sadd.s32 $0x8, s8;
	s17 =	sadd.s32 $0x2000, s17;
	s18 =	sadd.s32 $0x40, s18;
	[tilespmem:$0x100B0] =	vst v1  }
0xa3: {  	[tilespmem:s30], [sflag:$0x4] =	stream.indirect.gather [hbm4b:s4+s22], $0x1, s29, s22, $0xb8;
	[tilespmem:$0x104F8] =	vst v63  }
.LBB2_5:
0xa4: {  	_ =	sfence.sel $0x180000  }
0xa5: {  	[bflag:$0x0] =	sbarrier.arrive $0xFFFF  }
0xa6: {  	_ =	strace $0x90000047  }
0xa7: {  	s0 =	stileid.u32;
	[bflag:$0x2] =	sbarrier.arrive $0xFFFF  }
0xa8: {  	p0 =	sne.s32 s0, $0x0;
	s0 =	rddreg [dreg:$0x2]  }
0xa9: {  	s0 =	sadd.s32 @!p0 $0x100000, s0  }
0xaa: {  	[sflag:s0] =	ssyncadd.tile.s32 @!p0 $0x1;
	_ =	shalt  }
.Lfunc_end2:
_tile_overlayer_lowered:
.L_overlay_start_2:
0xab: {  	(tag) =	ssettag $0x2  }
0xac: {  	s0 =	rddreg [dreg:$0x0];
	s2 =	stileid.u32  }
0xad: {  	s1 =	rddreg [dreg:$0x1];
	p0 =	sne.s32 s2, $0x0  }
0xae: {  	s3 =	rddreg [dreg:$0x2];
	[bflag:$0x3] =	sbarrier.arrive $0xFFFF;
	s2 =	simm.s32 @!p0 $0x1C05  }
0xaf: {  	[timem:s3], [sflag:s2] =	dma.local @!p0 [hbm:s0], s1  }
0xb0: {  	s0 =	simm.s32 @!p0 $0x5  }
0xb1: {  	_ =	swait.ge @!p0 [sflag:s0], s1  }
0xb2: {  	s1 =	ssub.s32 @!p0 $0x0, s1;
	[sflag:s0] =	ssyncset.done @!p0 $0x0  }
0xb3: {  	[sflag:s0] =	ssyncadd.s32 @!p0 s1  }
0xb4: {  	[bflag:$0x3] =	sbarrier.arrive $0xFFFF  }
0xb5: {  	_ =	shalt  }

// kernel: sparse-core-data-format-call.cloned.1.call-start
scs
called_computation_lowered:
.L_overlay_start_0:
0x0: {  	s1 =	sld [smem:$0x3FD9]  }
0x1: {  	s2 =	sld [smem:$0x3FFE];
	_ =	sdelay $0x1  }
0x2: {  	s3 =	srdreg.scid  }
0x3: {  	s0 =	sand.u32 $0x1, s3  }
0x4: {  	s17 =	sshll.u32 s0, $0xA;
	s1 =	sadd.s32 s2, s1  }
0x5: {  	s1 =	sadd.s32 s1, s17  }
0x6: {  	[smem:$0x3FC5] =	sst s1  }
0x7: {  	_ = 	snop  }
0x8: {  	(tm) =	ssettm $0x1  }
0x9: {  	s18 =	sld [smem:$0x3FFB];
	_ =	sdelay $0x3  }
0xa: {  	_ =	strace s18  }
0xb: {  	s1 =	sld [smem:$0x3FFC];
	_ =	sdelay $0x3  }
0xc: {  	_ =	strace s1  }
0xd: {  	s1 =	sld [smem:$0x3FFD];
	_ =	sdelay $0x3  }
0xe: {  	_ =	strace s1  }
0xf: {  	_ =	strace $0x8FFFFFFF  }
0x10: {  	s19 =	sld [smem:$0x3FDB];
	_ =	sdelay $0x1  }
0x11: {  	s20 =	simm.s32 $_scs_section_size  }
0x12: {  	s4 =	simm.s32 $_size__tile_overlayer_lowered;
	s5 =	simm.s32 $_tile_overlayer_lowered  }
0x13: {  	s23 =	simm.s32 $0x1BFF;
	s22 =	sshll.u32 s5, $0x1;
	s1 =	sadd.s32 s20, s19  }
0x14: {  	s6 =	simm.s32 $0x0;
	s21 =	sshll.u32 s4, $0x1;
	s4 =	sadd.s32 s22, s1  }
0x15: {  	[timem:s6], [sflag:s23] =	dma.local [hbm:s4], s21  }
0x16: {  	_ =	swait.ge [sflag:s23], s21  }
0x17: {  	s2 =	ssub.s32 $0x0, s21;
	[sflag:s23] =	ssyncset.done $0x0  }
0x18: {  	[sflag:s23] =	ssyncadd.s32 s2;
	_ =	sdelay $0x1  }
0x19: {  	s24 =	simm.s32 $0x1B8B  }
0x1a: {  	_ =	swait.ge [sflag:s24], $0x1  }
0x1b: {  	[sflag:s24] =	ssyncset.done $0x0  }
0x1c: {  	s26 =	simm.s32 $0x1B8E;
	s25 =	sld [smem:$0x3FFE];
	[sflag:s24] =	ssyncadd.s32 $0xFFFFFFFF  }
0x1d: {  	s27 =	simm.s32 $execute0_lowered;
	[smem:$0x3FD2] =	sst s26  }
0x1e: {  	s4 =	sshll.u32 s27, $0x1;
	_ =	strace $0x80000049;
	[dreg:$0x1] =	wrdreg $0xFFFFFFFF  }
0x1f: {  	s28 =	simm.s32 $_size_execute0_lowered;
	s1 =	sadd.s32 s1, s4;
	[dreg:$0x0] =	wrdreg $0x0  }
0x20: {  	s4 =	sshll.u32 s28, $0x1;
	[dreg:$0x2] =	wrdreg s1  }
0x21: {  	[dreg:$0x3] =	wrdreg s4  }
0x22: {  	[dreg:$0x4] =	wrdreg $0xC0  }
0x23: {  	_ =	task [dreg:s6], $0x5FFFF  }
0x24: {  	[dreg:$0x1] =	wrdreg $0xFFFFFFFF  }
0x25: {  	[dreg:$0x0] =	wrdreg $0x60  }
0x26: {  	[dreg:$0x2] =	wrdreg s25  }
0x27: {  	[dreg:$0x3] =	wrdreg $0x9  }
0x28: {  	_ =	task.clear_ibuf [dreg:s6], $0x4FFFF;
	_ =	strace $0x90000049  }
0x29: {  	s29 =	simm.s32 $0x9;
	_ =	strace $0x8000004B  }
0x2a: {  	_ =	swait.ge [sflag:s29], $0x1  }
0x2b: {  	[sflag:s29] =	ssyncadd.s32 $0xFFFFFFFF  }
0x2c: {  	_ =	strace $0x9000004B  }
0x2d: {  	_ =	sfence  }
0x2e: {  	s30 =	sld [smem:$0x0];
	_ =	sdelay $0x2  }
0x2f: {  	s31 =	sshll.u32 s3, $0xD;
	s3 =	sshrl.u32 s3, $0x2  }
0x30: {  	s2 =	sand.u32 $0x4000, s31;
	s1 =	sadd.s32 s3, s30  }
0x31: {  	s0 =	sor.u32 s2, s0;
	s1 =	sshll.u32 s1, $0x11  }
0x32: {  	s0 =	sor.u32 s1, s0  }
0x33: {  	s0 =	sadd.s32 $0x8F2B, s0  }
0x34: {  	[sflag:s0] =	ssyncadd.remote.s32 $0x1  }
0x35: {  	_ =	sfence.sel $0xFFFF  }
0x36: {  	[dreg:$0x0] =	wrdreg $0xFFFFFFFF;
	(pc) =	sbr.abs _section_cstart, $3  }
0x37: {  	[dreg:$0x1] =	wrdreg $0xFFFFFFFF  }
0x38: {  	_ =	task.clear_ibuf [dreg:s6], $0x2FFFF;
	_ =	strace $0x9FFFFFFF  }
0x39: {  	(tm) =	ssettm $0x7FFFFFFF  }
tec
execute0_lowered:
.L_overlay_start_1:
0x0: {  	(tag) =	ssettag $0x1  }
0x1: {  	s0 =	srdreg.scid  }
0x2: {  	s1 =	sshll.u32 s0, $0x4  }
0x3: {  	s0 =	stileid.u32;
	s1 =	sand.u32 $0x10, s1  }
0x4: {  	s1 =	sor.u32 s0, s1  }
0x5: {  	s6 =	rddreg [dreg:$0x0];
	s7 =	simm.s32 $0x2;
	s2 =	sshll.u32 s1, $0x7  }
0x6: {  	s12 =	simm.s32 $0x0;
	s8 =	simm.s32 $0x64000;
	s1 =	ssub.s32 $0xC800, s2  }
0x7: {  	s13 =	simm.s32 $0x0;
	s9 =	simm.s32 $0x0;
	s3 =	sand.u32 $0xF80, s1  }
0x8: {  	s11 =	simm.s32 $0x0;
	p0 =	sne.s32 s3, $0x0;
	s3 =	simm.s32 $0x1  }
.Ltmp0:
0x9: {  	s4 =	sshrl.u32 s1, $0xC;
	s3 =	simm.s32 @!p0 $0x0;
	(pc) =	sbr.rel .LBB1_1-.Ltmp0, $4  }
0xa: {  	s5 =	sadd.s32 $0x22800, s6;
	s1 =	rddreg [dreg:$0x1];
	s4 =	sadd.s32 s3, s4  }
0xb: {  	_ =	strace $0x8000004A;
	s3 =	simm.s32 $0x1;
	s4 =	smul.u32 $0x7, s4  }
0xc: {  	s6 =	sadd.s32 $0x662800, s6;
	s10 =	smov.u32 s2;
	[sflag:s3] =	ssyncpa.u1 $0x0  }
0xd: {  	p0 =	por $0x0, $0x0;
	[sflag:s7] =	ssyncpa.u1 $0x0;
	s7 =	sadd.s32 $0x1, s4  }
.LBB1_4:
0xe: {  	v5 =	vld [tilespmem:s17+$0xFFFFFFD0];
	[tilespmem:s16+$0x2040 ss:$0x81] =	vst.msk $0xffff, v3;
	s19 =	sshll.u32 s13, $0x3  }
0xf: {  	v58 =	vld [tilespmem:s17+$0xFFFFFFE0];
	[tilespmem:s16+$0x2850 ss:$0x81] =	vst.msk $0xffff, v4;
	s24 =	sand.u32 $0x7F, s13;
	s20 =	sand.u32 $0xFFFFFC00, s19  }
0x10: {  	s18 =	sshra.s32 s18, $0x2;
	v59 =	vld [tilespmem:s17+$0xFFFFFFF0];
	[tilespmem:s16+$0x3060 ss:$0x81] =	vst.msk $0xffff, v2;
	s13 =	sor.u32 s24, s20  }
0x11: {  	v60 =	vld [tilespmem:s17+$0x0];
	[tilespmem:s16+$0x0 ss:$0x81] =	vst.msk $0xffff, v0;
	s15 =	sadd.s32 s18, s15;
	s25 =	smulhi.u32 $0x51EB851F, s13  }
0x12: {  	v61 =	vld [tilespmem:s17+$0x10];
	s26 =	smulhi.u32 $0x51EB851F, s19;
	[tilespmem:s15+$0x3870 ss:$0x81] =	vst.msk $0xffff, v1  }
0x13: {  	v62 =	vld [tilespmem:s17+$0x20];
	[tilespmem:s15+$0x810 ss:$0x81] =	vst.msk $0xffff, v5;
	s16 =	sshrl.u32 s25, $0xE  }
0x14: {  	v63 =	vld [tilespmem:s17+$0xFFFFFFC0];
	s27 =	sshrl.u32 s26, $0xE;
	[tilespmem:s15+$0x1020 ss:$0x81] =	vst.msk $0xffff, v58;
	s16 =	smul.u32 $0xC800, s16  }
0x15: {  	s12 =	smul.u32 $0xC8000, s12;
	s17 =	sand.u32 $0x7F, s27;
	[tilespmem:s15+$0x1830 ss:$0x81] =	vst.msk $0xffff, v59  }
0x16: {  	[tilespmem:s15+$0x2040 ss:$0x81] =	vst.msk $0xffff, v60;
	s28 =	smul.u32 $0x1900, s17;
	s13 =	ssub.s32 s13, s16  }
0x17: {  	s12 =	sadd.s32 s6, s12;
	[tilespmem:s15+$0x2850 ss:$0x81] =	vst.msk $0xffff, v61;
	s29 =	sand.u32 $0x7, s13  }
0x18: {  	[tilespmem:s15+$0x3060 ss:$0x81] =	vst.msk $0xffff, v62;
	s12 =	sadd.s32 s28, s12;
	s13 =	sshrl.u32 s13, $0x3;
	s30 =	sshll.u32 s29, $0x12  }
0x19: {  	[tilespmem:s15+$0x0 ss:$0x81] =	vst.msk $0xffff, v63;
	s12 =	sadd.s32 s13, s12;
	s31 =	sor.u32 $0x400, s30  }
0x1a: {  	[hbm4b:s12+s31] =	stream.strided.scatter [tilespmem:s14], [sflag:$0x2], $0x4000, s8, s31, $0x20;
	[tilespmem:$0x10100] =	vst v63  }
.LBB1_5:
0x1b: {  	s14 =	sadd.s32 $0x1, s9  }
0x1c: {  	s12 =	sadd.s32 $0x1000, s10;
	s16 =	smov.u32 s10;
	p2 =	sgt.s32 s14, $0x6  }
0x1d: {  	s16 =	smov.u32 @p2 s12  }
0x1e: {  	s14 =	simm.s32 @p2 $0x0;
	p2 =	sgt.s32 s16, $0xC7FF  }
0x1f: {  	s16 =	smov.u32 @p2 s2;
	p2 =	sne.s32 s11, s7  }
.Ltmp1:
0x20: {  	p1 =	slt.u32 s11, $0x2;
	(pc) =	sbr.rel @!p2 .LBB1_6-.Ltmp1, $4  }
0x21: {  	s15 =	simm.s32 @!p1 $0x2  }
0x22: {  	s13 =	smov.u32 s10;
	p0 =	por !p0, !p0;
	_ =	swait.ge @!p1 [sflag:s15], $0x4000  }
0x23: {  	s12 =	smov.u32 s9;
	[sflag:s15] =	ssyncset.done @!p1 $0x0;
	s9 =	smov.u32 s14  }
0x24: {  	s11 =	sadd.s32 $0x1, s11;
	[sflag:s15] =	ssyncadd.s32 @!p1 $0xFFFFC000;
	s10 =	smov.u32 s16  }
.LBB1_1:
0x25: {  	p1 =	sge.u32 s11, s4  }
0x26: {  	s31 =	sadd.s32 $0xFFFFFFFF, s11;
	s14 =	sxor.u32 @!p1 $0xFFFFFFFF, s11  }
0x27: {  	s15 =	sshll.u32 @!p1 s10, $0x7;
	s16 =	sshll.u32 @!p1 s9, $0x4;
	s17 =	simm.s32 @!p1 $0x400  }
0x28: {  	s14 =	sshll.u32 @!p1 s14, $0xE;
	s16 =	sand.u32 @!p1 $0x70, s16;
	s15 =	sadd.s32 @!p1 s5, s15  }
0x29: {  	s14 =	sand.u32 @!p1 $0x4000, s14;
	s15 =	sadd.s32 @!p1 s16, s15;
	s16 =	simm.s32 @!p1 $0x80  }
0x2a: {  	[tilespmem:s14], [sflag:$0x1] =	stream.strided.gather @!p1 [hbm4b:s15+s16], $0x4000, s17, s16, $0x38;
	[tilespmem:$0x10100] =	vst v63  }
0x2b: {  	p1 =	sge.u32 s31, s4  }
.Ltmp2:
0x2c: {  	_ = 	snop;
	(pc) =	sbr.rel @p1 .LBB1_5-.Ltmp2, $1  }
0x2d: {  	_ =	sdelay $0x3  }
0x2e: {  	s14 =	simm.s32 $0x1  }
0x2f: {  	_ =	swait.ge [sflag:s3], $0x4000;
	s14 =	simm.s32 @!p0 $0x0  }
0x30: {  	[sflag:s3] =	ssyncset.done $0x0;
	s15 =	sshll.u32 s14, $0xE  }
0x31: {  	[sflag:s3] =	ssyncadd.s32 $0xFFFFC000;
	s17 =	sor.u32 $0x40, s15  }
0x32: {  	s14 =	smul.u32 $0x10200, s14;
	v0 =	vld [tilespmem:s17+$0x30]  }
0x33: {  	v1 =	vld [tilespmem:s17+$0xFFFFFFD0]  }
0x34: {  	s14 =	sshrl.u32 s14, $0x2;
	v5 =	vld [tilespmem:s17+$0xFFFFFFE0]  }
0x35: {  	v6 =	vld [tilespmem:s17+$0xFFFFFFF0];
	s15 =	sor.u32 $0x8000, s14  }
0x36: {  	s31 =	sand.u32 $0x1, s11;
	v3 =	vld [tilespmem:s17+$0x0];
	s16 =	sadd.s32 $0x0, s15  }
0x37: {  	v4 =	vld [tilespmem:s17+$0x10];
	s14 =	smul.u32 $0x10200, s31;
	[tilespmem:s16+$0x3870 ss:$0x81] =	vst.msk $0xffff, v0  }
0x38: {  	v2 =	vld [tilespmem:s17+$0x20];
	[tilespmem:s16+$0x810 ss:$0x81] =	vst.msk $0xffff, v1  }
0x39: {  	s14 =	sshrl.u32 s14, $0x2;
	v0 =	vld [tilespmem:s17+$0xFFFFFFC0];
	[tilespmem:s16+$0x1020 ss:$0x81] =	vst.msk $0xffff, v5;
	s17 =	sadd.s32 $0x80, s17  }
0x3a: {  	s18 =	simm.s32 $0x4;
	s19 =	simm.s32 $0x8;
	s14 =	sor.u32 $0x8000, s14;
	[tilespmem:s16+$0x1830 ss:$0x81] =	vst.msk $0xffff, v6;
	v1 =	vld [tilespmem:s17+$0x30]  }
.LBB1_3:
0x3b: {  	p1 =	sne.s32 s19, $0x1FC;
	v5 =	vld [tilespmem:s17+$0xFFFFFFD0];
	[tilespmem:s16+$0x2040 ss:$0x81] =	vst.msk $0xffff, v3  }
0x3c: {  	v6 =	vld [tilespmem:s17+$0xFFFFFFE0];
	[tilespmem:s16+$0x2850 ss:$0x81] =	vst.msk $0xffff, v4  }
0x3d: {  	s20 =	sshra.s32 s18, $0x2;
	s18 =	smov.u32 s19;
	v7 =	vld [tilespmem:s17+$0xFFFFFFF0];
	[tilespmem:s16+$0x3060 ss:$0x81] =	vst.msk $0xffff, v2  }
.Ltmp3:
0x3e: {  	v3 =	vld [tilespmem:s17+$0x0];
	[tilespmem:s16+$0x0 ss:$0x81] =	vst.msk $0xffff, v0;
	s16 =	sadd.s32 s20, s15;
	(pc) =	sbr.rel @p1 .LBB1_3-.Ltmp3, $4  }
0x3f: {  	v4 =	vld [tilespmem:s17+$0x10];
	[tilespmem:s16+$0x3870 ss:$0x81] =	vst.msk $0xffff, v1  }
0x40: {  	[tilespmem:s16+$0x810 ss:$0x81] =	vst.msk $0xffff, v5;
	v2 =	vld [tilespmem:s17+$0x20]  }
0x41: {  	v0 =	vld [tilespmem:s17+$0xFFFFFFC0];
	[tilespmem:s16+$0x1020 ss:$0x81] =	vst.msk $0xffff, v6;
	s17 =	sadd.s32 $0x80, s17  }
0x42: {  	s19 =	sadd.s32 $0x4, s19;
	v1 =	vld [tilespmem:s17+$0x30];
	[tilespmem:s16+$0x1830 ss:$0x81] =	vst.msk $0xffff, v7  }
.Ltmp4:
0x43: {  	_ = 	snop;
	(pc) =	sbr.rel .LBB1_4-.Ltmp4, $1  }
0x44: {  	_ =	sdelay $0x3  }
.LBB1_6:
0x45: {  	_ =	sfence.sel $0x180000  }
0x46: {  	s2 =	simm.s32 $0x1;
	[bflag:$0x0] =	sbarrier.arrive $0xFFFF  }
0x47: {  	s31 =	simm.s32 $0x2;
	[sflag:s2] =	ssyncpa.u1 $0x1  }
0x48: {  	[sflag:s31] =	ssyncpa.u1 $0x1  }
0x49: {  	p0 =	sne.s32 s0, $0x0;
	_ =	strace $0x9000004A  }
0x4a: {  	s0 =	sadd.s32 @!p0 $0x100000, s1;
	[bflag:$0x2] =	sbarrier.arrive $0xFFFF  }
0x4b: {  	[sflag:s0] =	ssyncadd.tile.s32 @!p0 $0x1;
	_ =	shalt  }
.Lfunc_end1:
_tile_overlayer_lowered:
.L_overlay_start_2:
0x4c: {  	(tag) =	ssettag $0x2  }
0x4d: {  	s0 =	rddreg [dreg:$0x0];
	s2 =	stileid.u32  }
0x4e: {  	s1 =	rddreg [dreg:$0x1];
	p0 =	sne.s32 s2, $0x0  }
0x4f: {  	s3 =	rddreg [dreg:$0x2];
	[bflag:$0x3] =	sbarrier.arrive $0xFFFF;
	s2 =	simm.s32 @!p0 $0x1C01  }
0x50: {  	[timem:s3], [sflag:s2] =	dma.local @!p0 [hbm:s0], s1  }
0x51: {  	s0 =	simm.s32 @!p0 $0x1  }
0x52: {  	_ =	swait.ge @!p0 [sflag:s0], s1  }
0x53: {  	s1 =	ssub.s32 @!p0 $0x0, s1;
	[sflag:s0] =	ssyncset.done @!p0 $0x0  }
0x54: {  	[sflag:s0] =	ssyncadd.s32 @!p0 s1  }
0x55: {  	[bflag:$0x3] =	sbarrier.arrive $0xFFFF  }
0x56: {  	_ =	shalt  }

</sc_bundles>
